<compile_context>
chip_gen: v7x
topology: tpu7x:2x2x1
jax: 0.10.2.dev20260603
libtpu: 0.0.44.dev20260713+nightly
codegen_flags: <defaults>
</compile_context>

<pallas_src>
import functools

import numpy as np
import jax
import jax.numpy as jnp
from jax import lax
from jax.experimental import pallas as pl
from jax.experimental.pallas import tpu as pltpu
from jax.experimental.pallas import tpu_sc as plsc

B = 512
P = 1039
C = 64
NQ = 37
G = NQ * NQ
NUSED = 1027
ROWPAD = 17
CW = 16
CQ = C // CW
NTILES = 32
BPT = B // NTILES
UNITS = BPT * CQ
PCH = (NUSED + 15) // 16


def _grid_positions():
    dirs = [(1, 0), (0, 1), (-1, 1), (-1, 0), (0, -1), (1, -1)]
    coords = [(0, 0)]
    k = 1
    while len(coords) < P:
        q, r = 0, -k
        for d in range(6):
            for _ in range(k):
                coords.append((q, r))
                q += dirs[d][0]
                r += dirs[d][1]
        k += 1
    coords = coords[:P]
    gpos = np.zeros((PCH * 16,), dtype=np.int32)
    for p, (q, r) in enumerate(coords):
        if abs(q) <= 18 and abs(r) <= 18 and p < NUSED:
            gpos[p] = (q + 18) * NQ + (r + 18)
    return gpos


_GPOS = _grid_positions()


def _sc_kernel(hexa_hbm, gpos_hbm, zeros_hbm, out_hbm,
               x0, x1, o0, o1, gpos_v,
               isem0, isem1, osem0, osem1):
    wid = lax.axis_index("s") * 2 + lax.axis_index("c")
    iota = lax.broadcasted_iota(jnp.int32, (16,), 0)
    xb = (x0, x1)
    ob = (o0, o1)
    isem = (isem0, isem1)
    osem = (osem0, osem1)

    pltpu.sync_copy(gpos_hbm, gpos_v)
    pltpu.sync_copy(zeros_hbm, o0)
    pltpu.sync_copy(zeros_hbm, o1)

    b0 = wid * BPT

    def in_start(u, par):
        b = b0 + u // CQ
        q = u % CQ
        pltpu.async_copy(
            hexa_hbm.at[b, :, pl.ds(q * CW, CW)],
            xb[par].at[pl.ds(0, P), pl.ds(0, CW)],
            isem[par],
        )

    def in_wait(par):
        pltpu.make_async_copy(
            hexa_hbm.at[b0, :, pl.ds(0, CW)],
            xb[par].at[pl.ds(0, P), pl.ds(0, CW)],
            isem[par],
        ).wait()

    def out_start(u, par):
        b = b0 + u // CQ
        q = u % CQ
        pltpu.async_copy(ob[par], out_hbm.at[b, pl.ds(q * CW, CW), :], osem[par])

    def out_wait(par):
        pltpu.make_async_copy(ob[par], out_hbm.at[b0, pl.ds(0, CW), :],
                              osem[par]).wait()

    in_start(0, 0)

    def pair(i2, carry):
        for par in range(2):
            u = i2 * 2 + par
            in_wait(par)

            @pl.when(u < UNITS - 1)
            def _():
                in_start(u + 1, 1 - par)

            @pl.when(u >= 2)
            def _():
                out_wait(par)

            x_v = xb[par]
            o_v = ob[par]

            def pchunk(pc, carry2):
                pbase = pc * 16
                rows = pbase + iota
                gp = gpos_v[pl.ds(pbase, 16)]
                msk = rows < NUSED
                for cc in range(CW):
                    cvec = jnp.full((16,), cc, jnp.int32)
                    vals = plsc.load_gather(x_v, [rows, cvec])
                    plsc.store_scatter(o_v, [cvec, gp], vals, mask=msk)
                return carry2

            lax.fori_loop(0, PCH, pchunk, 0)
            out_start(u, par)
        return carry

    lax.fori_loop(0, UNITS // 2, pair, 0)
    out_wait(0)
    out_wait(1)


def kernel(hexa):
    mesh = plsc.VectorSubcoreMesh(core_axis_name="c", subcore_axis_name="s")
    run = functools.partial(
        pl.kernel,
        mesh=mesh,
        compiler_params=pltpu.CompilerParams(
            needs_layout_passes=False, use_tc_tiling_on_sc=False
        ),
        out_type=jax.ShapeDtypeStruct((B, C, G), jnp.float32),
        scratch_types=[
            pltpu.VMEM((PCH * 16 + 16, ROWPAD), jnp.float32),
            pltpu.VMEM((PCH * 16 + 16, ROWPAD), jnp.float32),
            pltpu.VMEM((CW, G), jnp.float32),
            pltpu.VMEM((CW, G), jnp.float32),
            pltpu.VMEM((PCH * 16,), jnp.int32),
            pltpu.SemaphoreType.DMA,
            pltpu.SemaphoreType.DMA,
            pltpu.SemaphoreType.DMA,
            pltpu.SemaphoreType.DMA,
        ],
    )(_sc_kernel)
    gpos = jnp.asarray(_GPOS)
    zeros = jnp.zeros((CW, G), jnp.float32)
    out = run(hexa, gpos, zeros)
    return out.reshape(B, C, NQ, NQ)

# --- scband reference (transcript-rebuilt; emitter-appended) ---
"""Pipeline reference for scband-hexa-to-parallelogram-52304111731362 (READ-ONLY COPY).

The authoritative reference and input builder live on the scoring server;
editing this copy changes nothing except your own understanding.
"""

import jax, jax.numpy as jnp
import numpy as np

NUM_PIXELS = 1039
PIXEL_DIM = 1
PADDING_VALUE = 0.0


def _lookup_table():
    # Deterministic stand-in for magic.Geometry.lookup_table():
    # axial (q, r) -> pixel index, enumerated as a hexagonal spiral of 1039 cells
    # (MAGIC camera has 1039 pixels; full rings up to radius 18 = 1027 cells,
    # plus 12 cells of ring 19).
    dirs = [(1, 0), (0, 1), (-1, 1), (-1, 0), (0, -1), (1, -1)]
    coords = [(0, 0)]
    k = 1
    while len(coords) < NUM_PIXELS:
        q, r = 0, -k
        for d in range(6):
            for _ in range(k):
                coords.append((q, r))
                q += dirs[d][0]
                r += dirs[d][1]
        k += 1
    coords = coords[:NUM_PIXELS]
    return {c: i for i, c in enumerate(coords)}


_LT = _lookup_table()
_QS = [q for q, r in _LT.keys()]
_RS = [r for q, r in _LT.keys()]
_Q_MAX = max(_QS)
_R_MAX = max(_RS)
_NQ = 2 * _Q_MAX + 1
_NR = 2 * _R_MAX + 1
_IDX = np.zeros((_NQ, _NR), dtype=np.int32)
_MASK = np.zeros((_NQ, _NR), dtype=bool)
for _q in range(_NQ):
    for _r in range(_NR):
        _key = (_q - _Q_MAX, _r - _R_MAX)
        if _key in _LT:
            _IDX[_q, _r] = _LT[_key]
            _MASK[_q, _r] = True


def setup_inputs(seed: int = 0):
    key = jax.random.key(seed)
    hexa = jax.random.normal(key, (512, 1039, 64), dtype=jnp.float32)
    return {"hexa": hexa}


def reference(hexa):
    # transpose pixel dim to last
    h = jnp.swapaxes(hexa, PIXEL_DIM, -1)
    # truncate extra pixels if any
    h = h[..., :NUM_PIXELS]
    idx = jnp.asarray(_IDX)
    mask = jnp.asarray(_MASK)
    # scatter into parallelogram grid == gather with index map + padding mask
    gathered = jnp.take(h, idx, axis=-1)  # batch_shape + (NQ, NR)
    out = jnp.where(mask, gathered, jnp.asarray(PADDING_VALUE, dtype=h.dtype))
    return out

if __name__ == "__main__":
    import jax
    _d = setup_inputs()
    print(jax.jit(kernel)(*tuple(_d.values())))

</pallas_src>

<mosaic_0001>
#map = affine_map<(d0, d1) -> (0, 0, 0)>
#map1 = affine_map<(d0, d1) -> (0)>
#map2 = affine_map<(d0, d1) -> (0, 0)>
module attributes {stable_mosaic.version = 14 : i64} {
  func.func @_sc_kernel(%arg0: i32, %arg1: i32, %arg2: memref<512x1039x64xf32, #tpu.memory_space<hbm>>, %arg3: memref<1040xi32, #tpu.memory_space<hbm>>, %arg4: memref<16x1369xf32, #tpu.memory_space<hbm>>, %arg5: memref<512x64x1369xf32, #tpu.memory_space<hbm>>, %arg6: memref<1056x17xf32, #tpu.memory_space<vmem>>, %arg7: memref<1056x17xf32, #tpu.memory_space<vmem>>, %arg8: memref<16x1369xf32, #tpu.memory_space<vmem>>, %arg9: memref<16x1369xf32, #tpu.memory_space<vmem>>, %arg10: memref<1040xi32, #tpu.memory_space<vmem>>, %arg11: memref<!tpu.dma_semaphore, #tpu.memory_space<semaphore_mem>>, %arg12: memref<!tpu.dma_semaphore, #tpu.memory_space<semaphore_mem>>, %arg13: memref<!tpu.dma_semaphore, #tpu.memory_space<semaphore_mem>>, %arg14: memref<!tpu.dma_semaphore, #tpu.memory_space<semaphore_mem>>) attributes {dimension_semantics = [#tpu.dimension_semantics<core_parallel>, #tpu.dimension_semantics<subcore_parallel>], iteration_bounds = array<i64: 2, 16>, scalar_prefetch = 0 : i64, scratch_operands = 9 : i64, tpu.core_type = #tpu.core_type<sc_vector_subcore>, window_params = [{transform_indices = #map}, {transform_indices = #map1}, {transform_indices = #map2}, {transform_indices = #map}]} {
    %mul3A = arith.constant 2 : i32
    %mul3A_0 = arith.muli %arg1, %mul3A : i32
    %add3A = arith.addi %mul3A_0, %arg0 : i32
    %iota3A = tpu.iota {dimensions = array<i32: 0>} : vector<16xi32>
    "tpu.region"() ({
      %run_scoped3A = tpu.sem_alloc : memref<!tpu.dma_semaphore, #tpu.memory_space<semaphore_mem>>
      tpu.enqueue_dma source(%arg3 : memref<1040xi32, #tpu.memory_space<hbm>>) target(%arg10 : memref<1040xi32, #tpu.memory_space<vmem>>) target_semaphore(%run_scoped3A : memref<!tpu.dma_semaphore, #tpu.memory_space<semaphore_mem>>)
      tpu.wait_dma2 semaphore(%run_scoped3A : memref<!tpu.dma_semaphore, #tpu.memory_space<semaphore_mem>>) src(%arg3 : memref<1040xi32, #tpu.memory_space<hbm>>) dst(%arg10 : memref<1040xi32, #tpu.memory_space<vmem>>)
      tpu.yield
    }) : () -> ()
    "tpu.region"() ({
      %run_scoped3A = tpu.sem_alloc : memref<!tpu.dma_semaphore, #tpu.memory_space<semaphore_mem>>
      tpu.enqueue_dma source(%arg4 : memref<16x1369xf32, #tpu.memory_space<hbm>>) target(%arg8 : memref<16x1369xf32, #tpu.memory_space<vmem>>) target_semaphore(%run_scoped3A : memref<!tpu.dma_semaphore, #tpu.memory_space<semaphore_mem>>)
      tpu.wait_dma2 semaphore(%run_scoped3A : memref<!tpu.dma_semaphore, #tpu.memory_space<semaphore_mem>>) src(%arg4 : memref<16x1369xf32, #tpu.memory_space<hbm>>) dst(%arg8 : memref<16x1369xf32, #tpu.memory_space<vmem>>)
      tpu.yield
    }) : () -> ()
    "tpu.region"() ({
      %run_scoped3A = tpu.sem_alloc : memref<!tpu.dma_semaphore, #tpu.memory_space<semaphore_mem>>
      tpu.enqueue_dma source(%arg4 : memref<16x1369xf32, #tpu.memory_space<hbm>>) target(%arg9 : memref<16x1369xf32, #tpu.memory_space<vmem>>) target_semaphore(%run_scoped3A : memref<!tpu.dma_semaphore, #tpu.memory_space<semaphore_mem>>)
      tpu.wait_dma2 semaphore(%run_scoped3A : memref<!tpu.dma_semaphore, #tpu.memory_space<semaphore_mem>>) src(%arg4 : memref<16x1369xf32, #tpu.memory_space<hbm>>) dst(%arg9 : memref<16x1369xf32, #tpu.memory_space<vmem>>)
      tpu.yield
    }) : () -> ()
    %mul3A_1 = arith.constant 16 : i32
    %mul3A_2 = arith.muli %add3A, %mul3A_1 : i32
    %add3A_3 = arith.constant 0 : i32
    %add3A_4 = arith.addi %mul3A_2, %add3A_3 : i32
    %dma_start3A = arith.constant 0 : i32
    %dma_start3A_5 = arith.constant 0 : i32
    %dma_start3A_6 = tpu.memref_slice %arg6[%dma_start3A, %dma_start3A_5] : memref<1056x17xf32, #tpu.memory_space<vmem>> -> memref<1039x16xf32, #tpu.memory_space<vmem>>
    %dma_start3A_7 = arith.constant 0 : i32
    %dma_start3A_8 = arith.constant 0 : i32
    %dma_start3A_9 = tpu.memref_slice %arg2[%add3A_4, %dma_start3A_7, %dma_start3A_8] : memref<512x1039x64xf32, #tpu.memory_space<hbm>> -> memref<1x1039x16xf32, #tpu.memory_space<hbm>>
    %dma_start3A_10 = tpu.memref_squeeze %dma_start3A_9 : memref<1x1039x16xf32, #tpu.memory_space<hbm>> -> memref<1039x16xf32, #tpu.memory_space<hbm>>
    %dma_start3A_11 = arith.constant 0 : i32
    %dma_start3A_12 = arith.constant 0 : i32
    %dma_start3A_13 = tpu.memref_slice %arg6[%dma_start3A_11, %dma_start3A_12] : memref<1056x17xf32, #tpu.memory_space<vmem>> -> memref<1039x16xf32, #tpu.memory_space<vmem>>
    %dma_start3A_14 = arith.constant 0 : i32
    %dma_start3A_15 = arith.constant 0 : i32
    %dma_start3A_16 = tpu.memref_slice %arg2[%add3A_4, %dma_start3A_14, %dma_start3A_15] : memref<512x1039x64xf32, #tpu.memory_space<hbm>> -> memref<1x1039x16xf32, #tpu.memory_space<hbm>>
    %dma_start3A_17 = tpu.memref_squeeze %dma_start3A_16 : memref<1x1039x16xf32, #tpu.memory_space<hbm>> -> memref<1039x16xf32, #tpu.memory_space<hbm>>
    tpu.enqueue_dma source(%dma_start3A_17 : memref<1039x16xf32, #tpu.memory_space<hbm>>) target(%dma_start3A_13 : memref<1039x16xf32, #tpu.memory_space<vmem>>) target_semaphore(%arg11 : memref<!tpu.dma_semaphore, #tpu.memory_space<semaphore_mem>>)
    %scan3A = arith.constant 0 : i32
    %scan3A_18 = arith.constant 0 : i32
    %scan3A_19 = arith.constant 32 : i32
    %scan3A_20 = arith.addi %scan3A_18, %scan3A_19 : i32
    %scan3A_21 = arith.constant 1 : i32
    scf.for %scan3A_38 = %scan3A_18 to %scan3A_20 step %scan3A_21  : i32 {
      %mul3A_39 = arith.constant 2 : i32
      %mul3A_40 = arith.muli %scan3A_38, %mul3A_39 : i32
      %add3A_41 = arith.constant 0 : i32
      %add3A_42 = arith.addi %mul3A_40, %add3A_41 : i32
      %dma_wait3A_43 = arith.constant 0 : i32
      %dma_wait3A_44 = arith.constant 0 : i32
      %dma_wait3A_45 = tpu.memref_slice %arg6[%dma_wait3A_43, %dma_wait3A_44] : memref<1056x17xf32, #tpu.memory_space<vmem>> -> memref<1039x16xf32, #tpu.memory_space<vmem>>
      %dma_wait3A_46 = arith.constant 0 : i32
      %dma_wait3A_47 = arith.constant 0 : i32
      %dma_wait3A_48 = tpu.memref_slice %arg2[%mul3A_2, %dma_wait3A_46, %dma_wait3A_47] : memref<512x1039x64xf32, #tpu.memory_space<hbm>> -> memref<1x1039x16xf32, #tpu.memory_space<hbm>>
      %dma_wait3A_49 = tpu.memref_squeeze %dma_wait3A_48 : memref<1x1039x16xf32, #tpu.memory_space<hbm>> -> memref<1039x16xf32, #tpu.memory_space<hbm>>
      %dma_wait3A_50 = arith.constant 0 : i32
      %dma_wait3A_51 = arith.constant 0 : i32
      %dma_wait3A_52 = tpu.memref_slice %arg6[%dma_wait3A_50, %dma_wait3A_51] : memref<1056x17xf32, #tpu.memory_space<vmem>> -> memref<1039x16xf32, #tpu.memory_space<vmem>>
      %dma_wait3A_53 = arith.constant 0 : i32
      %dma_wait3A_54 = arith.constant 0 : i32
      %dma_wait3A_55 = tpu.memref_slice %arg2[%mul3A_2, %dma_wait3A_53, %dma_wait3A_54] : memref<512x1039x64xf32, #tpu.memory_space<hbm>> -> memref<1x1039x16xf32, #tpu.memory_space<hbm>>
      %dma_wait3A_56 = tpu.memref_squeeze %dma_wait3A_55 : memref<1x1039x16xf32, #tpu.memory_space<hbm>> -> memref<1039x16xf32, #tpu.memory_space<hbm>>
      tpu.wait_dma2 semaphore(%arg11 : memref<!tpu.dma_semaphore, #tpu.memory_space<semaphore_mem>>) src(%dma_wait3A_56 : memref<1039x16xf32, #tpu.memory_space<hbm>>) dst(%dma_wait3A_52 : memref<1039x16xf32, #tpu.memory_space<vmem>>)
      %lt3A = arith.constant 63 : i32
      %lt3A_57 = arith.cmpi slt, %add3A_42, %lt3A : i32
      %convert_element_type3A = arith.extui %lt3A_57 : i1 to i32
      %cond3A = arith.constant 0 : i32
      %cond3A_58 = arith.cmpi ne, %convert_element_type3A, %cond3A : i32
      scf.if %cond3A_58 {
        %add3A_192 = arith.constant 1 : i32
        %add3A_193 = arith.addi %add3A_42, %add3A_192 : i32
        %jit3A_194 = arith.constant 4 : i32
        %div3A_195 = arith.divsi %add3A_193, %jit3A_194 : i32
        %sign3A_196 = arith.constant 0 : i32
        %sign3A_197 = arith.cmpi sgt, %add3A_193, %sign3A_196 : i32
        %sign3A_198 = arith.extui %sign3A_197 : i1 to i32
        %sign3A_199 = arith.constant 0 : i32
        %sign3A_200 = arith.cmpi slt, %add3A_193, %sign3A_199 : i32
        %sign3A_201 = arith.extui %sign3A_200 : i1 to i32
        %sign3A_202 = arith.subi %sign3A_198, %sign3A_201 : i32
        %sign3A_203 = arith.constant 0 : i32
        %sign3A_204 = arith.cmpi sgt, %jit3A_194, %sign3A_203 : i32
        %sign3A_205 = arith.extui %sign3A_204 : i1 to i32
        %sign3A_206 = arith.constant 0 : i32
        %sign3A_207 = arith.cmpi slt, %jit3A_194, %sign3A_206 : i32
        %sign3A_208 = arith.extui %sign3A_207 : i1 to i32
        %sign3A_209 = arith.subi %sign3A_205, %sign3A_208 : i32
        %ne3A_210 = arith.cmpi ne, %sign3A_202, %sign3A_209 : i32
        %rem3A_211 = arith.remsi %add3A_193, %jit3A_194 : i32
        %ne3A_212 = arith.constant 0 : i32
        %ne3A_213 = arith.cmpi ne, %rem3A_211, %ne3A_212 : i32
        %and3A_214 = arith.andi %ne3A_210, %ne3A_213 : i1
        %sub3A_215 = arith.constant 1 : i32
        %sub3A_216 = arith.subi %div3A_195, %sub3A_215 : i32
        %select_n3A_217 = arith.select %and3A_214, %sub3A_216, %div3A_195 : i32
        %add3A_218 = arith.addi %mul3A_2, %select_n3A_217 : i32
        %jit3A_219 = arith.constant 4 : i32
        %eq3A_220 = arith.constant 0 : i32
        %eq3A_221 = arith.cmpi eq, %jit3A_219, %eq3A_220 : i32
        %jit3A_222 = arith.constant 1 : i32
        %select_n3A_223 = arith.select %eq3A_221, %jit3A_222, %jit3A_219 : i32
        %rem3A_224 = arith.remsi %add3A_193, %select_n3A_223 : i32
        %ne3A_225 = arith.constant 0 : i32
        %ne3A_226 = arith.cmpi ne, %rem3A_224, %ne3A_225 : i32
        %lt3A_227 = arith.constant 0 : i32
        %lt3A_228 = arith.cmpi slt, %rem3A_224, %lt3A_227 : i32
        %lt3A_229 = arith.constant 0 : i32
        %lt3A_230 = arith.cmpi slt, %select_n3A_223, %lt3A_229 : i32
        %ne3A_231 = arith.xori %lt3A_228, %lt3A_230 : i1
        %and3A_232 = arith.andi %ne3A_231, %ne3A_226 : i1
        %add3A_233 = arith.addi %rem3A_224, %select_n3A_223 : i32
        %select_n3A_234 = arith.select %and3A_232, %add3A_233, %rem3A_224 : i32
        %mul3A_235 = arith.constant 16 : i32
        %mul3A_236 = arith.muli %select_n3A_234, %mul3A_235 : i32
        %dma_start3A_237 = arith.constant 0 : i32
        %dma_start3A_238 = arith.constant 0 : i32
        %dma_start3A_239 = tpu.memref_slice %arg7[%dma_start3A_237, %dma_start3A_238] : memref<1056x17xf32, #tpu.memory_space<vmem>> -> memref<1039x16xf32, #tpu.memory_space<vmem>>
        %dma_start3A_240 = arith.constant 0 : i32
        %dma_start3A_241 = tpu.memref_slice %arg2[%add3A_218, %dma_start3A_240, %mul3A_236] : memref<512x1039x64xf32, #tpu.memory_space<hbm>> -> memref<1x1039x16xf32, #tpu.memory_space<hbm>>
        %dma_start3A_242 = tpu.memref_squeeze %dma_start3A_241 : memref<1x1039x16xf32, #tpu.memory_space<hbm>> -> memref<1039x16xf32, #tpu.memory_space<hbm>>
        %dma_start3A_243 = arith.constant 0 : i32
        %dma_start3A_244 = arith.constant 0 : i32
        %dma_start3A_245 = tpu.memref_slice %arg7[%dma_start3A_243, %dma_start3A_244] : memref<1056x17xf32, #tpu.memory_space<vmem>> -> memref<1039x16xf32, #tpu.memory_space<vmem>>
        %dma_start3A_246 = arith.constant 0 : i32
        %dma_start3A_247 = tpu.memref_slice %arg2[%add3A_218, %dma_start3A_246, %mul3A_236] : memref<512x1039x64xf32, #tpu.memory_space<hbm>> -> memref<1x1039x16xf32, #tpu.memory_space<hbm>>
        %dma_start3A_248 = tpu.memref_squeeze %dma_start3A_247 : memref<1x1039x16xf32, #tpu.memory_space<hbm>> -> memref<1039x16xf32, #tpu.memory_space<hbm>>
        tpu.enqueue_dma source(%dma_start3A_248 : memref<1039x16xf32, #tpu.memory_space<hbm>>) target(%dma_start3A_245 : memref<1039x16xf32, #tpu.memory_space<vmem>>) target_semaphore(%arg12 : memref<!tpu.dma_semaphore, #tpu.memory_space<semaphore_mem>>)
      } else {
      }
      %ge3A = arith.constant 2 : i32
      %ge3A_59 = arith.cmpi sge, %add3A_42, %ge3A : i32
      %convert_element_type3A_60 = arith.extui %ge3A_59 : i1 to i32
      %cond3A_61 = arith.constant 0 : i32
      %cond3A_62 = arith.cmpi ne, %convert_element_type3A_60, %cond3A_61 : i32
      scf.if %cond3A_62 {
        %dma_wait3A_192 = arith.constant 0 : i32
        %dma_wait3A_193 = arith.constant 0 : i32
        %dma_wait3A_194 = tpu.memref_slice %arg5[%mul3A_2, %dma_wait3A_192, %dma_wait3A_193] : memref<512x64x1369xf32, #tpu.memory_space<hbm>> -> memref<1x16x1369xf32, #tpu.memory_space<hbm>>
        %dma_wait3A_195 = tpu.memref_squeeze %dma_wait3A_194 : memref<1x16x1369xf32, #tpu.memory_space<hbm>> -> memref<16x1369xf32, #tpu.memory_space<hbm>>
        %dma_wait3A_196 = arith.constant 0 : i32
        %dma_wait3A_197 = arith.constant 0 : i32
        %dma_wait3A_198 = tpu.memref_slice %arg5[%mul3A_2, %dma_wait3A_196, %dma_wait3A_197] : memref<512x64x1369xf32, #tpu.memory_space<hbm>> -> memref<1x16x1369xf32, #tpu.memory_space<hbm>>
        %dma_wait3A_199 = tpu.memref_squeeze %dma_wait3A_198 : memref<1x16x1369xf32, #tpu.memory_space<hbm>> -> memref<16x1369xf32, #tpu.memory_space<hbm>>
        tpu.wait_dma2 semaphore(%arg13 : memref<!tpu.dma_semaphore, #tpu.memory_space<semaphore_mem>>) src(%arg8 : memref<16x1369xf32, #tpu.memory_space<vmem>>) dst(%dma_wait3A_199 : memref<16x1369xf32, #tpu.memory_space<hbm>>)
      } else {
      }
      %scan3A_63 = arith.constant 0 : i32
      %scan3A_64 = arith.constant 0 : i32
      %scan3A_65 = arith.constant 65 : i32
      %scan3A_66 = arith.addi %scan3A_64, %scan3A_65 : i32
      %scan3A_67 = arith.constant 1 : i32
      scf.for %scan3A_192 = %scan3A_64 to %scan3A_66 step %scan3A_67  : i32 {
        %mul3A_193 = arith.constant 16 : i32
        %mul3A_194 = arith.muli %scan3A_192, %mul3A_193 : i32
        %add3A_195 = vector.broadcast %mul3A_194 : i32 to vector<16xi32>
        %add3A_196 = arith.addi %add3A_195, %iota3A : vector<16xi32>
        %get3A = arith.index_cast %mul3A_194 : i32 to index
        %get3A_197 = tpu.vector_load %arg10[%get3A] {strides = array<i32>} : memref<1040xi32, #tpu.memory_space<vmem>>, vector<16xi32>,
        %lt3A_198 = arith.constant 1027 : i32
        %lt3A_199 = vector.broadcast %lt3A_198 : i32 to vector<16xi32>
        %lt3A_200 = arith.cmpi slt, %add3A_196, %lt3A_199 : vector<16xi32>
        %broadcast_in_dim3A = arith.constant 0 : i32
        %broadcast_in_dim3A_201 = vector.broadcast %broadcast_in_dim3A : i32 to vector<16xi32>
        %gather3A = tpu.vector_load_idx %arg6[%add3A_196, %broadcast_in_dim3A_201] : memref<1056x17xf32, #tpu.memory_space<vmem>>[vector<16xi32>, vector<16xi32>], vector<16xf32>,
        tpu.vector_store_idx %arg8[%broadcast_in_dim3A_201, %get3A_197], %gather3A masked %lt3A_200 : memref<16x1369xf32, #tpu.memory_space<vmem>>[vector<16xi32>, vector<16xi32>], vector<16xf32>, vector<16xi1>
        %broadcast_in_dim3A_202 = arith.constant 1 : i32
        %broadcast_in_dim3A_203 = vector.broadcast %broadcast_in_dim3A_202 : i32 to vector<16xi32>
        %gather3A_204 = tpu.vector_load_idx %arg6[%add3A_196, %broadcast_in_dim3A_203] : memref<1056x17xf32, #tpu.memory_space<vmem>>[vector<16xi32>, vector<16xi32>], vector<16xf32>,
        tpu.vector_store_idx %arg8[%broadcast_in_dim3A_203, %get3A_197], %gather3A_204 masked %lt3A_200 : memref<16x1369xf32, #tpu.memory_space<vmem>>[vector<16xi32>, vector<16xi32>], vector<16xf32>, vector<16xi1>
        %broadcast_in_dim3A_205 = arith.constant 2 : i32
        %broadcast_in_dim3A_206 = vector.broadcast %broadcast_in_dim3A_205 : i32 to vector<16xi32>
        %gather3A_207 = tpu.vector_load_idx %arg6[%add3A_196, %broadcast_in_dim3A_206] : memref<1056x17xf32, #tpu.memory_space<vmem>>[vector<16xi32>, vector<16xi32>], vector<16xf32>,
        tpu.vector_store_idx %arg8[%broadcast_in_dim3A_206, %get3A_197], %gather3A_207 masked %lt3A_200 : memref<16x1369xf32, #tpu.memory_space<vmem>>[vector<16xi32>, vector<16xi32>], vector<16xf32>, vector<16xi1>
        %broadcast_in_dim3A_208 = arith.constant 3 : i32
        %broadcast_in_dim3A_209 = vector.broadcast %broadcast_in_dim3A_208 : i32 to vector<16xi32>
        %gather3A_210 = tpu.vector_load_idx %arg6[%add3A_196, %broadcast_in_dim3A_209] : memref<1056x17xf32, #tpu.memory_space<vmem>>[vector<16xi32>, vector<16xi32>], vector<16xf32>,
        tpu.vector_store_idx %arg8[%broadcast_in_dim3A_209, %get3A_197], %gather3A_210 masked %lt3A_200 : memref<16x1369xf32, #tpu.memory_space<vmem>>[vector<16xi32>, vector<16xi32>], vector<16xf32>, vector<16xi1>
        %broadcast_in_dim3A_211 = arith.constant 4 : i32
        %broadcast_in_dim3A_212 = vector.broadcast %broadcast_in_dim3A_211 : i32 to vector<16xi32>
        %gather3A_213 = tpu.vector_load_idx %arg6[%add3A_196, %broadcast_in_dim3A_212] : memref<1056x17xf32, #tpu.memory_space<vmem>>[vector<16xi32>, vector<16xi32>], vector<16xf32>,
        tpu.vector_store_idx %arg8[%broadcast_in_dim3A_212, %get3A_197], %gather3A_213 masked %lt3A_200 : memref<16x1369xf32, #tpu.memory_space<vmem>>[vector<16xi32>, vector<16xi32>], vector<16xf32>, vector<16xi1>
        %broadcast_in_dim3A_214 = arith.constant 5 : i32
        %broadcast_in_dim3A_215 = vector.broadcast %broadcast_in_dim3A_214 : i32 to vector<16xi32>
        %gather3A_216 = tpu.vector_load_idx %arg6[%add3A_196, %broadcast_in_dim3A_215] : memref<1056x17xf32, #tpu.memory_space<vmem>>[vector<16xi32>, vector<16xi32>], vector<16xf32>,
        tpu.vector_store_idx %arg8[%broadcast_in_dim3A_215, %get3A_197], %gather3A_216 masked %lt3A_200 : memref<16x1369xf32, #tpu.memory_space<vmem>>[vector<16xi32>, vector<16xi32>], vector<16xf32>, vector<16xi1>
        %broadcast_in_dim3A_217 = arith.constant 6 : i32
        %broadcast_in_dim3A_218 = vector.broadcast %broadcast_in_dim3A_217 : i32 to vector<16xi32>
        %gather3A_219 = tpu.vector_load_idx %arg6[%add3A_196, %broadcast_in_dim3A_218] : memref<1056x17xf32, #tpu.memory_space<vmem>>[vector<16xi32>, vector<16xi32>], vector<16xf32>,
        tpu.vector_store_idx %arg8[%broadcast_in_dim3A_218, %get3A_197], %gather3A_219 masked %lt3A_200 : memref<16x1369xf32, #tpu.memory_space<vmem>>[vector<16xi32>, vector<16xi32>], vector<16xf32>, vector<16xi1>
        %broadcast_in_dim3A_220 = arith.constant 7 : i32
        %broadcast_in_dim3A_221 = vector.broadcast %broadcast_in_dim3A_220 : i32 to vector<16xi32>
        %gather3A_222 = tpu.vector_load_idx %arg6[%add3A_196, %broadcast_in_dim3A_221] : memref<1056x17xf32, #tpu.memory_space<vmem>>[vector<16xi32>, vector<16xi32>], vector<16xf32>,
        tpu.vector_store_idx %arg8[%broadcast_in_dim3A_221, %get3A_197], %gather3A_222 masked %lt3A_200 : memref<16x1369xf32, #tpu.memory_space<vmem>>[vector<16xi32>, vector<16xi32>], vector<16xf32>, vector<16xi1>
        %broadcast_in_dim3A_223 = arith.constant 8 : i32
        %broadcast_in_dim3A_224 = vector.broadcast %broadcast_in_dim3A_223 : i32 to vector<16xi32>
        %gather3A_225 = tpu.vector_load_idx %arg6[%add3A_196, %broadcast_in_dim3A_224] : memref<1056x17xf32, #tpu.memory_space<vmem>>[vector<16xi32>, vector<16xi32>], vector<16xf32>,
        tpu.vector_store_idx %arg8[%broadcast_in_dim3A_224, %get3A_197], %gather3A_225 masked %lt3A_200 : memref<16x1369xf32, #tpu.memory_space<vmem>>[vector<16xi32>, vector<16xi32>], vector<16xf32>, vector<16xi1>
        %broadcast_in_dim3A_226 = arith.constant 9 : i32
        %broadcast_in_dim3A_227 = vector.broadcast %broadcast_in_dim3A_226 : i32 to vector<16xi32>
        %gather3A_228 = tpu.vector_load_idx %arg6[%add3A_196, %broadcast_in_dim3A_227] : memref<1056x17xf32, #tpu.memory_space<vmem>>[vector<16xi32>, vector<16xi32>], vector<16xf32>,
        tpu.vector_store_idx %arg8[%broadcast_in_dim3A_227, %get3A_197], %gather3A_228 masked %lt3A_200 : memref<16x1369xf32, #tpu.memory_space<vmem>>[vector<16xi32>, vector<16xi32>], vector<16xf32>, vector<16xi1>
        %broadcast_in_dim3A_229 = arith.constant 10 : i32
        %broadcast_in_dim3A_230 = vector.broadcast %broadcast_in_dim3A_229 : i32 to vector<16xi32>
        %gather3A_231 = tpu.vector_load_idx %arg6[%add3A_196, %broadcast_in_dim3A_230] : memref<1056x17xf32, #tpu.memory_space<vmem>>[vector<16xi32>, vector<16xi32>], vector<16xf32>,
        tpu.vector_store_idx %arg8[%broadcast_in_dim3A_230, %get3A_197], %gather3A_231 masked %lt3A_200 : memref<16x1369xf32, #tpu.memory_space<vmem>>[vector<16xi32>, vector<16xi32>], vector<16xf32>, vector<16xi1>
        %broadcast_in_dim3A_232 = arith.constant 11 : i32
        %broadcast_in_dim3A_233 = vector.broadcast %broadcast_in_dim3A_232 : i32 to vector<16xi32>
        %gather3A_234 = tpu.vector_load_idx %arg6[%add3A_196, %broadcast_in_dim3A_233] : memref<1056x17xf32, #tpu.memory_space<vmem>>[vector<16xi32>, vector<16xi32>], vector<16xf32>,
        tpu.vector_store_idx %arg8[%broadcast_in_dim3A_233, %get3A_197], %gather3A_234 masked %lt3A_200 : memref<16x1369xf32, #tpu.memory_space<vmem>>[vector<16xi32>, vector<16xi32>], vector<16xf32>, vector<16xi1>
        %broadcast_in_dim3A_235 = arith.constant 12 : i32
        %broadcast_in_dim3A_236 = vector.broadcast %broadcast_in_dim3A_235 : i32 to vector<16xi32>
        %gather3A_237 = tpu.vector_load_idx %arg6[%add3A_196, %broadcast_in_dim3A_236] : memref<1056x17xf32, #tpu.memory_space<vmem>>[vector<16xi32>, vector<16xi32>], vector<16xf32>,
        tpu.vector_store_idx %arg8[%broadcast_in_dim3A_236, %get3A_197], %gather3A_237 masked %lt3A_200 : memref<16x1369xf32, #tpu.memory_space<vmem>>[vector<16xi32>, vector<16xi32>], vector<16xf32>, vector<16xi1>
        %broadcast_in_dim3A_238 = arith.constant 13 : i32
        %broadcast_in_dim3A_239 = vector.broadcast %broadcast_in_dim3A_238 : i32 to vector<16xi32>
        %gather3A_240 = tpu.vector_load_idx %arg6[%add3A_196, %broadcast_in_dim3A_239] : memref<1056x17xf32, #tpu.memory_space<vmem>>[vector<16xi32>, vector<16xi32>], vector<16xf32>,
        tpu.vector_store_idx %arg8[%broadcast_in_dim3A_239, %get3A_197], %gather3A_240 masked %lt3A_200 : memref<16x1369xf32, #tpu.memory_space<vmem>>[vector<16xi32>, vector<16xi32>], vector<16xf32>, vector<16xi1>
        %broadcast_in_dim3A_241 = arith.constant 14 : i32
        %broadcast_in_dim3A_242 = vector.broadcast %broadcast_in_dim3A_241 : i32 to vector<16xi32>
        %gather3A_243 = tpu.vector_load_idx %arg6[%add3A_196, %broadcast_in_dim3A_242] : memref<1056x17xf32, #tpu.memory_space<vmem>>[vector<16xi32>, vector<16xi32>], vector<16xf32>,
        tpu.vector_store_idx %arg8[%broadcast_in_dim3A_242, %get3A_197], %gather3A_243 masked %lt3A_200 : memref<16x1369xf32, #tpu.memory_space<vmem>>[vector<16xi32>, vector<16xi32>], vector<16xf32>, vector<16xi1>
        %broadcast_in_dim3A_244 = arith.constant 15 : i32
        %broadcast_in_dim3A_245 = vector.broadcast %broadcast_in_dim3A_244 : i32 to vector<16xi32>
        %gather3A_246 = tpu.vector_load_idx %arg6[%add3A_196, %broadcast_in_dim3A_245] : memref<1056x17xf32, #tpu.memory_space<vmem>>[vector<16xi32>, vector<16xi32>], vector<16xf32>,
        tpu.vector_store_idx %arg8[%broadcast_in_dim3A_245, %get3A_197], %gather3A_246 masked %lt3A_200 : memref<16x1369xf32, #tpu.memory_space<vmem>>[vector<16xi32>, vector<16xi32>], vector<16xf32>, vector<16xi1>
      }
      %scan3A_68 = arith.constant 65 : i32
      %jit3A = arith.constant 4 : i32
      %div3A = arith.divsi %add3A_42, %jit3A : i32
      %sign3A = arith.constant 0 : i32
      %sign3A_69 = arith.cmpi sgt, %add3A_42, %sign3A : i32
      %sign3A_70 = arith.extui %sign3A_69 : i1 to i32
      %sign3A_71 = arith.constant 0 : i32
      %sign3A_72 = arith.cmpi slt, %add3A_42, %sign3A_71 : i32
      %sign3A_73 = arith.extui %sign3A_72 : i1 to i32
      %sign3A_74 = arith.subi %sign3A_70, %sign3A_73 : i32
      %sign3A_75 = arith.constant 0 : i32
      %sign3A_76 = arith.cmpi sgt, %jit3A, %sign3A_75 : i32
      %sign3A_77 = arith.extui %sign3A_76 : i1 to i32
      %sign3A_78 = arith.constant 0 : i32
      %sign3A_79 = arith.cmpi slt, %jit3A, %sign3A_78 : i32
      %sign3A_80 = arith.extui %sign3A_79 : i1 to i32
      %sign3A_81 = arith.subi %sign3A_77, %sign3A_80 : i32
      %ne3A = arith.cmpi ne, %sign3A_74, %sign3A_81 : i32
      %rem3A = arith.remsi %add3A_42, %jit3A : i32
      %ne3A_82 = arith.constant 0 : i32
      %ne3A_83 = arith.cmpi ne, %rem3A, %ne3A_82 : i32
      %and3A = arith.andi %ne3A, %ne3A_83 : i1
      %sub3A = arith.constant 1 : i32
      %sub3A_84 = arith.subi %div3A, %sub3A : i32
      %select_n3A = arith.select %and3A, %sub3A_84, %div3A : i32
      %add3A_85 = arith.addi %mul3A_2, %select_n3A : i32
      %jit3A_86 = arith.constant 4 : i32
      %eq3A = arith.constant 0 : i32
      %eq3A_87 = arith.cmpi eq, %jit3A_86, %eq3A : i32
      %jit3A_88 = arith.constant 1 : i32
      %select_n3A_89 = arith.select %eq3A_87, %jit3A_88, %jit3A_86 : i32
      %rem3A_90 = arith.remsi %add3A_42, %select_n3A_89 : i32
      %ne3A_91 = arith.constant 0 : i32
      %ne3A_92 = arith.cmpi ne, %rem3A_90, %ne3A_91 : i32
      %lt3A_93 = arith.constant 0 : i32
      %lt3A_94 = arith.cmpi slt, %rem3A_90, %lt3A_93 : i32
      %lt3A_95 = arith.constant 0 : i32
      %lt3A_96 = arith.cmpi slt, %select_n3A_89, %lt3A_95 : i32
      %ne3A_97 = arith.xori %lt3A_94, %lt3A_96 : i1
      %and3A_98 = arith.andi %ne3A_97, %ne3A_92 : i1
      %add3A_99 = arith.addi %rem3A_90, %select_n3A_89 : i32
      %select_n3A_100 = arith.select %and3A_98, %add3A_99, %rem3A_90 : i32
      %mul3A_101 = arith.constant 16 : i32
      %mul3A_102 = arith.muli %select_n3A_100, %mul3A_101 : i32
      %dma_start3A_103 = arith.constant 0 : i32
      %dma_start3A_104 = tpu.memref_slice %arg5[%add3A_85, %mul3A_102, %dma_start3A_103] : memref<512x64x1369xf32, #tpu.memory_space<hbm>> -> memref<1x16x1369xf32, #tpu.memory_space<hbm>>
      %dma_start3A_105 = tpu.memref_squeeze %dma_start3A_104 : memref<1x16x1369xf32, #tpu.memory_space<hbm>> -> memref<16x1369xf32, #tpu.memory_space<hbm>>
      %dma_start3A_106 = arith.constant 0 : i32
      %dma_start3A_107 = tpu.memref_slice %arg5[%add3A_85, %mul3A_102, %dma_start3A_106] : memref<512x64x1369xf32, #tpu.memory_space<hbm>> -> memref<1x16x1369xf32, #tpu.memory_space<hbm>>
      %dma_start3A_108 = tpu.memref_squeeze %dma_start3A_107 : memref<1x16x1369xf32, #tpu.memory_space<hbm>> -> memref<16x1369xf32, #tpu.memory_space<hbm>>
      tpu.enqueue_dma source(%arg8 : memref<16x1369xf32, #tpu.memory_space<vmem>>) target(%dma_start3A_108 : memref<16x1369xf32, #tpu.memory_space<hbm>>) target_semaphore(%arg13 : memref<!tpu.dma_semaphore, #tpu.memory_space<semaphore_mem>>)
      %mul3A_109 = arith.constant 2 : i32
      %mul3A_110 = arith.muli %scan3A_38, %mul3A_109 : i32
      %add3A_111 = arith.constant 1 : i32
      %add3A_112 = arith.addi %mul3A_110, %add3A_111 : i32
      %dma_wait3A_113 = arith.constant 0 : i32
      %dma_wait3A_114 = arith.constant 0 : i32
      %dma_wait3A_115 = tpu.memref_slice %arg7[%dma_wait3A_113, %dma_wait3A_114] : memref<1056x17xf32, #tpu.memory_space<vmem>> -> memref<1039x16xf32, #tpu.memory_space<vmem>>
      %dma_wait3A_116 = arith.constant 0 : i32
      %dma_wait3A_117 = arith.constant 0 : i32
      %dma_wait3A_118 = tpu.memref_slice %arg2[%mul3A_2, %dma_wait3A_116, %dma_wait3A_117] : memref<512x1039x64xf32, #tpu.memory_space<hbm>> -> memref<1x1039x16xf32, #tpu.memory_space<hbm>>
      %dma_wait3A_119 = tpu.memref_squeeze %dma_wait3A_118 : memref<1x1039x16xf32, #tpu.memory_space<hbm>> -> memref<1039x16xf32, #tpu.memory_space<hbm>>
      %dma_wait3A_120 = arith.constant 0 : i32
      %dma_wait3A_121 = arith.constant 0 : i32
      %dma_wait3A_122 = tpu.memref_slice %arg7[%dma_wait3A_120, %dma_wait3A_121] : memref<1056x17xf32, #tpu.memory_space<vmem>> -> memref<1039x16xf32, #tpu.memory_space<vmem>>
      %dma_wait3A_123 = arith.constant 0 : i32
      %dma_wait3A_124 = arith.constant 0 : i32
      %dma_wait3A_125 = tpu.memref_slice %arg2[%mul3A_2, %dma_wait3A_123, %dma_wait3A_124] : memref<512x1039x64xf32, #tpu.memory_space<hbm>> -> memref<1x1039x16xf32, #tpu.memory_space<hbm>>
      %dma_wait3A_126 = tpu.memref_squeeze %dma_wait3A_125 : memref<1x1039x16xf32, #tpu.memory_space<hbm>> -> memref<1039x16xf32, #tpu.memory_space<hbm>>
      tpu.wait_dma2 semaphore(%arg12 : memref<!tpu.dma_semaphore, #tpu.memory_space<semaphore_mem>>) src(%dma_wait3A_126 : memref<1039x16xf32, #tpu.memory_space<hbm>>) dst(%dma_wait3A_122 : memref<1039x16xf32, #tpu.memory_space<vmem>>)
      %lt3A_127 = arith.constant 63 : i32
      %lt3A_128 = arith.cmpi slt, %add3A_112, %lt3A_127 : i32
      %convert_element_type3A_129 = arith.extui %lt3A_128 : i1 to i32
      %cond3A_130 = arith.constant 0 : i32
      %cond3A_131 = arith.cmpi ne, %convert_element_type3A_129, %cond3A_130 : i32
      scf.if %cond3A_131 {
        %add3A_192 = arith.constant 1 : i32
        %add3A_193 = arith.addi %add3A_112, %add3A_192 : i32
        %jit3A_194 = arith.constant 4 : i32
        %div3A_195 = arith.divsi %add3A_193, %jit3A_194 : i32
        %sign3A_196 = arith.constant 0 : i32
        %sign3A_197 = arith.cmpi sgt, %add3A_193, %sign3A_196 : i32
        %sign3A_198 = arith.extui %sign3A_197 : i1 to i32
        %sign3A_199 = arith.constant 0 : i32
        %sign3A_200 = arith.cmpi slt, %add3A_193, %sign3A_199 : i32
        %sign3A_201 = arith.extui %sign3A_200 : i1 to i32
        %sign3A_202 = arith.subi %sign3A_198, %sign3A_201 : i32
        %sign3A_203 = arith.constant 0 : i32
        %sign3A_204 = arith.cmpi sgt, %jit3A_194, %sign3A_203 : i32
        %sign3A_205 = arith.extui %sign3A_204 : i1 to i32
        %sign3A_206 = arith.constant 0 : i32
        %sign3A_207 = arith.cmpi slt, %jit3A_194, %sign3A_206 : i32
        %sign3A_208 = arith.extui %sign3A_207 : i1 to i32
        %sign3A_209 = arith.subi %sign3A_205, %sign3A_208 : i32
        %ne3A_210 = arith.cmpi ne, %sign3A_202, %sign3A_209 : i32
        %rem3A_211 = arith.remsi %add3A_193, %jit3A_194 : i32
        %ne3A_212 = arith.constant 0 : i32
        %ne3A_213 = arith.cmpi ne, %rem3A_211, %ne3A_212 : i32
        %and3A_214 = arith.andi %ne3A_210, %ne3A_213 : i1
        %sub3A_215 = arith.constant 1 : i32
        %sub3A_216 = arith.subi %div3A_195, %sub3A_215 : i32
        %select_n3A_217 = arith.select %and3A_214, %sub3A_216, %div3A_195 : i32
        %add3A_218 = arith.addi %mul3A_2, %select_n3A_217 : i32
        %jit3A_219 = arith.constant 4 : i32
        %eq3A_220 = arith.constant 0 : i32
        %eq3A_221 = arith.cmpi eq, %jit3A_219, %eq3A_220 : i32
        %jit3A_222 = arith.constant 1 : i32
        %select_n3A_223 = arith.select %eq3A_221, %jit3A_222, %jit3A_219 : i32
        %rem3A_224 = arith.remsi %add3A_193, %select_n3A_223 : i32
        %ne3A_225 = arith.constant 0 : i32
        %ne3A_226 = arith.cmpi ne, %rem3A_224, %ne3A_225 : i32
        %lt3A_227 = arith.constant 0 : i32
        %lt3A_228 = arith.cmpi slt, %rem3A_224, %lt3A_227 : i32
        %lt3A_229 = arith.constant 0 : i32
        %lt3A_230 = arith.cmpi slt, %select_n3A_223, %lt3A_229 : i32
        %ne3A_231 = arith.xori %lt3A_228, %lt3A_230 : i1
        %and3A_232 = arith.andi %ne3A_231, %ne3A_226 : i1
        %add3A_233 = arith.addi %rem3A_224, %select_n3A_223 : i32
        %select_n3A_234 = arith.select %and3A_232, %add3A_233, %rem3A_224 : i32
        %mul3A_235 = arith.constant 16 : i32
        %mul3A_236 = arith.muli %select_n3A_234, %mul3A_235 : i32
        %dma_start3A_237 = arith.constant 0 : i32
        %dma_start3A_238 = arith.constant 0 : i32
        %dma_start3A_239 = tpu.memref_slice %arg6[%dma_start3A_237, %dma_start3A_238] : memref<1056x17xf32, #tpu.memory_space<vmem>> -> memref<1039x16xf32, #tpu.memory_space<vmem>>
        %dma_start3A_240 = arith.constant 0 : i32
        %dma_start3A_241 = tpu.memref_slice %arg2[%add3A_218, %dma_start3A_240, %mul3A_236] : memref<512x1039x64xf32, #tpu.memory_space<hbm>> -> memref<1x1039x16xf32, #tpu.memory_space<hbm>>
        %dma_start3A_242 = tpu.memref_squeeze %dma_start3A_241 : memref<1x1039x16xf32, #tpu.memory_space<hbm>> -> memref<1039x16xf32, #tpu.memory_space<hbm>>
        %dma_start3A_243 = arith.constant 0 : i32
        %dma_start3A_244 = arith.constant 0 : i32
        %dma_start3A_245 = tpu.memref_slice %arg6[%dma_start3A_243, %dma_start3A_244] : memref<1056x17xf32, #tpu.memory_space<vmem>> -> memref<1039x16xf32, #tpu.memory_space<vmem>>
        %dma_start3A_246 = arith.constant 0 : i32
        %dma_start3A_247 = tpu.memref_slice %arg2[%add3A_218, %dma_start3A_246, %mul3A_236] : memref<512x1039x64xf32, #tpu.memory_space<hbm>> -> memref<1x1039x16xf32, #tpu.memory_space<hbm>>
        %dma_start3A_248 = tpu.memref_squeeze %dma_start3A_247 : memref<1x1039x16xf32, #tpu.memory_space<hbm>> -> memref<1039x16xf32, #tpu.memory_space<hbm>>
        tpu.enqueue_dma source(%dma_start3A_248 : memref<1039x16xf32, #tpu.memory_space<hbm>>) target(%dma_start3A_245 : memref<1039x16xf32, #tpu.memory_space<vmem>>) target_semaphore(%arg11 : memref<!tpu.dma_semaphore, #tpu.memory_space<semaphore_mem>>)
      } else {
      }
      %ge3A_132 = arith.constant 2 : i32
      %ge3A_133 = arith.cmpi sge, %add3A_112, %ge3A_132 : i32
      %convert_element_type3A_134 = arith.extui %ge3A_133 : i1 to i32
      %cond3A_135 = arith.constant 0 : i32
      %cond3A_136 = arith.cmpi ne, %convert_element_type3A_134, %cond3A_135 : i32
      scf.if %cond3A_136 {
        %dma_wait3A_192 = arith.constant 0 : i32
        %dma_wait3A_193 = arith.constant 0 : i32
        %dma_wait3A_194 = tpu.memref_slice %arg5[%mul3A_2, %dma_wait3A_192, %dma_wait3A_193] : memref<512x64x1369xf32, #tpu.memory_space<hbm>> -> memref<1x16x1369xf32, #tpu.memory_space<hbm>>
        %dma_wait3A_195 = tpu.memref_squeeze %dma_wait3A_194 : memref<1x16x1369xf32, #tpu.memory_space<hbm>> -> memref<16x1369xf32, #tpu.memory_space<hbm>>
        %dma_wait3A_196 = arith.constant 0 : i32
        %dma_wait3A_197 = arith.constant 0 : i32
        %dma_wait3A_198 = tpu.memref_slice %arg5[%mul3A_2, %dma_wait3A_196, %dma_wait3A_197] : memref<512x64x1369xf32, #tpu.memory_space<hbm>> -> memref<1x16x1369xf32, #tpu.memory_space<hbm>>
        %dma_wait3A_199 = tpu.memref_squeeze %dma_wait3A_198 : memref<1x16x1369xf32, #tpu.memory_space<hbm>> -> memref<16x1369xf32, #tpu.memory_space<hbm>>
        tpu.wait_dma2 semaphore(%arg14 : memref<!tpu.dma_semaphore, #tpu.memory_space<semaphore_mem>>) src(%arg9 : memref<16x1369xf32, #tpu.memory_space<vmem>>) dst(%dma_wait3A_199 : memref<16x1369xf32, #tpu.memory_space<hbm>>)
      } else {
      }
      %scan3A_137 = arith.constant 0 : i32
      %scan3A_138 = arith.constant 0 : i32
      %scan3A_139 = arith.constant 65 : i32
      %scan3A_140 = arith.addi %scan3A_138, %scan3A_139 : i32
      %scan3A_141 = arith.constant 1 : i32
      scf.for %scan3A_192 = %scan3A_138 to %scan3A_140 step %scan3A_141  : i32 {
        %mul3A_193 = arith.constant 16 : i32
        %mul3A_194 = arith.muli %scan3A_192, %mul3A_193 : i32
        %add3A_195 = vector.broadcast %mul3A_194 : i32 to vector<16xi32>
        %add3A_196 = arith.addi %add3A_195, %iota3A : vector<16xi32>
        %get3A = arith.index_cast %mul3A_194 : i32 to index
        %get3A_197 = tpu.vector_load %arg10[%get3A] {strides = array<i32>} : memref<1040xi32, #tpu.memory_space<vmem>>, vector<16xi32>,
        %lt3A_198 = arith.constant 1027 : i32
        %lt3A_199 = vector.broadcast %lt3A_198 : i32 to vector<16xi32>
        %lt3A_200 = arith.cmpi slt, %add3A_196, %lt3A_199 : vector<16xi32>
        %broadcast_in_dim3A = arith.constant 0 : i32
        %broadcast_in_dim3A_201 = vector.broadcast %broadcast_in_dim3A : i32 to vector<16xi32>
        %gather3A = tpu.vector_load_idx %arg7[%add3A_196, %broadcast_in_dim3A_201] : memref<1056x17xf32, #tpu.memory_space<vmem>>[vector<16xi32>, vector<16xi32>], vector<16xf32>,
        tpu.vector_store_idx %arg9[%broadcast_in_dim3A_201, %get3A_197], %gather3A masked %lt3A_200 : memref<16x1369xf32, #tpu.memory_space<vmem>>[vector<16xi32>, vector<16xi32>], vector<16xf32>, vector<16xi1>
        %broadcast_in_dim3A_202 = arith.constant 1 : i32
        %broadcast_in_dim3A_203 = vector.broadcast %broadcast_in_dim3A_202 : i32 to vector<16xi32>
        %gather3A_204 = tpu.vector_load_idx %arg7[%add3A_196, %broadcast_in_dim3A_203] : memref<1056x17xf32, #tpu.memory_space<vmem>>[vector<16xi32>, vector<16xi32>], vector<16xf32>,
        tpu.vector_store_idx %arg9[%broadcast_in_dim3A_203, %get3A_197], %gather3A_204 masked %lt3A_200 : memref<16x1369xf32, #tpu.memory_space<vmem>>[vector<16xi32>, vector<16xi32>], vector<16xf32>, vector<16xi1>
        %broadcast_in_dim3A_205 = arith.constant 2 : i32
        %broadcast_in_dim3A_206 = vector.broadcast %broadcast_in_dim3A_205 : i32 to vector<16xi32>
        %gather3A_207 = tpu.vector_load_idx %arg7[%add3A_196, %broadcast_in_dim3A_206] : memref<1056x17xf32, #tpu.memory_space<vmem>>[vector<16xi32>, vector<16xi32>], vector<16xf32>,
        tpu.vector_store_idx %arg9[%broadcast_in_dim3A_206, %get3A_197], %gather3A_207 masked %lt3A_200 : memref<16x1369xf32, #tpu.memory_space<vmem>>[vector<16xi32>, vector<16xi32>], vector<16xf32>, vector<16xi1>
        %broadcast_in_dim3A_208 = arith.constant 3 : i32
        %broadcast_in_dim3A_209 = vector.broadcast %broadcast_in_dim3A_208 : i32 to vector<16xi32>
        %gather3A_210 = tpu.vector_load_idx %arg7[%add3A_196, %broadcast_in_dim3A_209] : memref<1056x17xf32, #tpu.memory_space<vmem>>[vector<16xi32>, vector<16xi32>], vector<16xf32>,
        tpu.vector_store_idx %arg9[%broadcast_in_dim3A_209, %get3A_197], %gather3A_210 masked %lt3A_200 : memref<16x1369xf32, #tpu.memory_space<vmem>>[vector<16xi32>, vector<16xi32>], vector<16xf32>, vector<16xi1>
        %broadcast_in_dim3A_211 = arith.constant 4 : i32
        %broadcast_in_dim3A_212 = vector.broadcast %broadcast_in_dim3A_211 : i32 to vector<16xi32>
        %gather3A_213 = tpu.vector_load_idx %arg7[%add3A_196, %broadcast_in_dim3A_212] : memref<1056x17xf32, #tpu.memory_space<vmem>>[vector<16xi32>, vector<16xi32>], vector<16xf32>,
        tpu.vector_store_idx %arg9[%broadcast_in_dim3A_212, %get3A_197], %gather3A_213 masked %lt3A_200 : memref<16x1369xf32, #tpu.memory_space<vmem>>[vector<16xi32>, vector<16xi32>], vector<16xf32>, vector<16xi1>
        %broadcast_in_dim3A_214 = arith.constant 5 : i32
        %broadcast_in_dim3A_215 = vector.broadcast %broadcast_in_dim3A_214 : i32 to vector<16xi32>
        %gather3A_216 = tpu.vector_load_idx %arg7[%add3A_196, %broadcast_in_dim3A_215] : memref<1056x17xf32, #tpu.memory_space<vmem>>[vector<16xi32>, vector<16xi32>], vector<16xf32>,
        tpu.vector_store_idx %arg9[%broadcast_in_dim3A_215, %get3A_197], %gather3A_216 masked %lt3A_200 : memref<16x1369xf32, #tpu.memory_space<vmem>>[vector<16xi32>, vector<16xi32>], vector<16xf32>, vector<16xi1>
        %broadcast_in_dim3A_217 = arith.constant 6 : i32
        %broadcast_in_dim3A_218 = vector.broadcast %broadcast_in_dim3A_217 : i32 to vector<16xi32>
        %gather3A_219 = tpu.vector_load_idx %arg7[%add3A_196, %broadcast_in_dim3A_218] : memref<1056x17xf32, #tpu.memory_space<vmem>>[vector<16xi32>, vector<16xi32>], vector<16xf32>,
        tpu.vector_store_idx %arg9[%broadcast_in_dim3A_218, %get3A_197], %gather3A_219 masked %lt3A_200 : memref<16x1369xf32, #tpu.memory_space<vmem>>[vector<16xi32>, vector<16xi32>], vector<16xf32>, vector<16xi1>
        %broadcast_in_dim3A_220 = arith.constant 7 : i32
        %broadcast_in_dim3A_221 = vector.broadcast %broadcast_in_dim3A_220 : i32 to vector<16xi32>
        %gather3A_222 = tpu.vector_load_idx %arg7[%add3A_196, %broadcast_in_dim3A_221] : memref<1056x17xf32, #tpu.memory_space<vmem>>[vector<16xi32>, vector<16xi32>], vector<16xf32>,
        tpu.vector_store_idx %arg9[%broadcast_in_dim3A_221, %get3A_197], %gather3A_222 masked %lt3A_200 : memref<16x1369xf32, #tpu.memory_space<vmem>>[vector<16xi32>, vector<16xi32>], vector<16xf32>, vector<16xi1>
        %broadcast_in_dim3A_223 = arith.constant 8 : i32
        %broadcast_in_dim3A_224 = vector.broadcast %broadcast_in_dim3A_223 : i32 to vector<16xi32>
        %gather3A_225 = tpu.vector_load_idx %arg7[%add3A_196, %broadcast_in_dim3A_224] : memref<1056x17xf32, #tpu.memory_space<vmem>>[vector<16xi32>, vector<16xi32>], vector<16xf32>,
        tpu.vector_store_idx %arg9[%broadcast_in_dim3A_224, %get3A_197], %gather3A_225 masked %lt3A_200 : memref<16x1369xf32, #tpu.memory_space<vmem>>[vector<16xi32>, vector<16xi32>], vector<16xf32>, vector<16xi1>
        %broadcast_in_dim3A_226 = arith.constant 9 : i32
        %broadcast_in_dim3A_227 = vector.broadcast %broadcast_in_dim3A_226 : i32 to vector<16xi32>
        %gather3A_228 = tpu.vector_load_idx %arg7[%add3A_196, %broadcast_in_dim3A_227] : memref<1056x17xf32, #tpu.memory_space<vmem>>[vector<16xi32>, vector<16xi32>], vector<16xf32>,
        tpu.vector_store_idx %arg9[%broadcast_in_dim3A_227, %get3A_197], %gather3A_228 masked %lt3A_200 : memref<16x1369xf32, #tpu.memory_space<vmem>>[vector<16xi32>, vector<16xi32>], vector<16xf32>, vector<16xi1>
        %broadcast_in_dim3A_229 = arith.constant 10 : i32
        %broadcast_in_dim3A_230 = vector.broadcast %broadcast_in_dim3A_229 : i32 to vector<16xi32>
        %gather3A_231 = tpu.vector_load_idx %arg7[%add3A_196, %broadcast_in_dim3A_230] : memref<1056x17xf32, #tpu.memory_space<vmem>>[vector<16xi32>, vector<16xi32>], vector<16xf32>,
        tpu.vector_store_idx %arg9[%broadcast_in_dim3A_230, %get3A_197], %gather3A_231 masked %lt3A_200 : memref<16x1369xf32, #tpu.memory_space<vmem>>[vector<16xi32>, vector<16xi32>], vector<16xf32>, vector<16xi1>
        %broadcast_in_dim3A_232 = arith.constant 11 : i32
        %broadcast_in_dim3A_233 = vector.broadcast %broadcast_in_dim3A_232 : i32 to vector<16xi32>
        %gather3A_234 = tpu.vector_load_idx %arg7[%add3A_196, %broadcast_in_dim3A_233] : memref<1056x17xf32, #tpu.memory_space<vmem>>[vector<16xi32>, vector<16xi32>], vector<16xf32>,
        tpu.vector_store_idx %arg9[%broadcast_in_dim3A_233, %get3A_197], %gather3A_234 masked %lt3A_200 : memref<16x1369xf32, #tpu.memory_space<vmem>>[vector<16xi32>, vector<16xi32>], vector<16xf32>, vector<16xi1>
        %broadcast_in_dim3A_235 = arith.constant 12 : i32
        %broadcast_in_dim3A_236 = vector.broadcast %broadcast_in_dim3A_235 : i32 to vector<16xi32>
        %gather3A_237 = tpu.vector_load_idx %arg7[%add3A_196, %broadcast_in_dim3A_236] : memref<1056x17xf32, #tpu.memory_space<vmem>>[vector<16xi32>, vector<16xi32>], vector<16xf32>,
        tpu.vector_store_idx %arg9[%broadcast_in_dim3A_236, %get3A_197], %gather3A_237 masked %lt3A_200 : memref<16x1369xf32, #tpu.memory_space<vmem>>[vector<16xi32>, vector<16xi32>], vector<16xf32>, vector<16xi1>
        %broadcast_in_dim3A_238 = arith.constant 13 : i32
        %broadcast_in_dim3A_239 = vector.broadcast %broadcast_in_dim3A_238 : i32 to vector<16xi32>
        %gather3A_240 = tpu.vector_load_idx %arg7[%add3A_196, %broadcast_in_dim3A_239] : memref<1056x17xf32, #tpu.memory_space<vmem>>[vector<16xi32>, vector<16xi32>], vector<16xf32>,
        tpu.vector_store_idx %arg9[%broadcast_in_dim3A_239, %get3A_197], %gather3A_240 masked %lt3A_200 : memref<16x1369xf32, #tpu.memory_space<vmem>>[vector<16xi32>, vector<16xi32>], vector<16xf32>, vector<16xi1>
        %broadcast_in_dim3A_241 = arith.constant 14 : i32
        %broadcast_in_dim3A_242 = vector.broadcast %broadcast_in_dim3A_241 : i32 to vector<16xi32>
        %gather3A_243 = tpu.vector_load_idx %arg7[%add3A_196, %broadcast_in_dim3A_242] : memref<1056x17xf32, #tpu.memory_space<vmem>>[vector<16xi32>, vector<16xi32>], vector<16xf32>,
        tpu.vector_store_idx %arg9[%broadcast_in_dim3A_242, %get3A_197], %gather3A_243 masked %lt3A_200 : memref<16x1369xf32, #tpu.memory_space<vmem>>[vector<16xi32>, vector<16xi32>], vector<16xf32>, vector<16xi1>
        %broadcast_in_dim3A_244 = arith.constant 15 : i32
        %broadcast_in_dim3A_245 = vector.broadcast %broadcast_in_dim3A_244 : i32 to vector<16xi32>
        %gather3A_246 = tpu.vector_load_idx %arg7[%add3A_196, %broadcast_in_dim3A_245] : memref<1056x17xf32, #tpu.memory_space<vmem>>[vector<16xi32>, vector<16xi32>], vector<16xf32>,
        tpu.vector_store_idx %arg9[%broadcast_in_dim3A_245, %get3A_197], %gather3A_246 masked %lt3A_200 : memref<16x1369xf32, #tpu.memory_space<vmem>>[vector<16xi32>, vector<16xi32>], vector<16xf32>, vector<16xi1>
      }
      %scan3A_142 = arith.constant 65 : i32
      %jit3A_143 = arith.constant 4 : i32
      %div3A_144 = arith.divsi %add3A_112, %jit3A_143 : i32
      %sign3A_145 = arith.constant 0 : i32
      %sign3A_146 = arith.cmpi sgt, %add3A_112, %sign3A_145 : i32
      %sign3A_147 = arith.extui %sign3A_146 : i1 to i32
      %sign3A_148 = arith.constant 0 : i32
      %sign3A_149 = arith.cmpi slt, %add3A_112, %sign3A_148 : i32
      %sign3A_150 = arith.extui %sign3A_149 : i1 to i32
      %sign3A_151 = arith.subi %sign3A_147, %sign3A_150 : i32
      %sign3A_152 = arith.constant 0 : i32
      %sign3A_153 = arith.cmpi sgt, %jit3A_143, %sign3A_152 : i32
      %sign3A_154 = arith.extui %sign3A_153 : i1 to i32
      %sign3A_155 = arith.constant 0 : i32
      %sign3A_156 = arith.cmpi slt, %jit3A_143, %sign3A_155 : i32
      %sign3A_157 = arith.extui %sign3A_156 : i1 to i32
      %sign3A_158 = arith.subi %sign3A_154, %sign3A_157 : i32
      %ne3A_159 = arith.cmpi ne, %sign3A_151, %sign3A_158 : i32
      %rem3A_160 = arith.remsi %add3A_112, %jit3A_143 : i32
      %ne3A_161 = arith.constant 0 : i32
      %ne3A_162 = arith.cmpi ne, %rem3A_160, %ne3A_161 : i32
      %and3A_163 = arith.andi %ne3A_159, %ne3A_162 : i1
      %sub3A_164 = arith.constant 1 : i32
      %sub3A_165 = arith.subi %div3A_144, %sub3A_164 : i32
      %select_n3A_166 = arith.select %and3A_163, %sub3A_165, %div3A_144 : i32
      %add3A_167 = arith.addi %mul3A_2, %select_n3A_166 : i32
      %jit3A_168 = arith.constant 4 : i32
      %eq3A_169 = arith.constant 0 : i32
      %eq3A_170 = arith.cmpi eq, %jit3A_168, %eq3A_169 : i32
      %jit3A_171 = arith.constant 1 : i32
      %select_n3A_172 = arith.select %eq3A_170, %jit3A_171, %jit3A_168 : i32
      %rem3A_173 = arith.remsi %add3A_112, %select_n3A_172 : i32
      %ne3A_174 = arith.constant 0 : i32
      %ne3A_175 = arith.cmpi ne, %rem3A_173, %ne3A_174 : i32
      %lt3A_176 = arith.constant 0 : i32
      %lt3A_177 = arith.cmpi slt, %rem3A_173, %lt3A_176 : i32
      %lt3A_178 = arith.constant 0 : i32
      %lt3A_179 = arith.cmpi slt, %select_n3A_172, %lt3A_178 : i32
      %ne3A_180 = arith.xori %lt3A_177, %lt3A_179 : i1
      %and3A_181 = arith.andi %ne3A_180, %ne3A_175 : i1
      %add3A_182 = arith.addi %rem3A_173, %select_n3A_172 : i32
      %select_n3A_183 = arith.select %and3A_181, %add3A_182, %rem3A_173 : i32
      %mul3A_184 = arith.constant 16 : i32
      %mul3A_185 = arith.muli %select_n3A_183, %mul3A_184 : i32
      %dma_start3A_186 = arith.constant 0 : i32
      %dma_start3A_187 = tpu.memref_slice %arg5[%add3A_167, %mul3A_185, %dma_start3A_186] : memref<512x64x1369xf32, #tpu.memory_space<hbm>> -> memref<1x16x1369xf32, #tpu.memory_space<hbm>>
      %dma_start3A_188 = tpu.memref_squeeze %dma_start3A_187 : memref<1x16x1369xf32, #tpu.memory_space<hbm>> -> memref<16x1369xf32, #tpu.memory_space<hbm>>
      %dma_start3A_189 = arith.constant 0 : i32
      %dma_start3A_190 = tpu.memref_slice %arg5[%add3A_167, %mul3A_185, %dma_start3A_189] : memref<512x64x1369xf32, #tpu.memory_space<hbm>> -> memref<1x16x1369xf32, #tpu.memory_space<hbm>>
      %dma_start3A_191 = tpu.memref_squeeze %dma_start3A_190 : memref<1x16x1369xf32, #tpu.memory_space<hbm>> -> memref<16x1369xf32, #tpu.memory_space<hbm>>
      tpu.enqueue_dma source(%arg9 : memref<16x1369xf32, #tpu.memory_space<vmem>>) target(%dma_start3A_191 : memref<16x1369xf32, #tpu.memory_space<hbm>>) target_semaphore(%arg14 : memref<!tpu.dma_semaphore, #tpu.memory_space<semaphore_mem>>)
    }
    %scan3A_22 = arith.constant 32 : i32
    %dma_wait3A = arith.constant 0 : i32
    %dma_wait3A_23 = arith.constant 0 : i32
    %dma_wait3A_24 = tpu.memref_slice %arg5[%mul3A_2, %dma_wait3A, %dma_wait3A_23] : memref<512x64x1369xf32, #tpu.memory_space<hbm>> -> memref<1x16x1369xf32, #tpu.memory_space<hbm>>
    %dma_wait3A_25 = tpu.memref_squeeze %dma_wait3A_24 : memref<1x16x1369xf32, #tpu.memory_space<hbm>> -> memref<16x1369xf32, #tpu.memory_space<hbm>>
    %dma_wait3A_26 = arith.constant 0 : i32
    %dma_wait3A_27 = arith.constant 0 : i32
    %dma_wait3A_28 = tpu.memref_slice %arg5[%mul3A_2, %dma_wait3A_26, %dma_wait3A_27] : memref<512x64x1369xf32, #tpu.memory_space<hbm>> -> memref<1x16x1369xf32, #tpu.memory_space<hbm>>
    %dma_wait3A_29 = tpu.memref_squeeze %dma_wait3A_28 : memref<1x16x1369xf32, #tpu.memory_space<hbm>> -> memref<16x1369xf32, #tpu.memory_space<hbm>>
    tpu.wait_dma2 semaphore(%arg13 : memref<!tpu.dma_semaphore, #tpu.memory_space<semaphore_mem>>) src(%arg8 : memref<16x1369xf32, #tpu.memory_space<vmem>>) dst(%dma_wait3A_29 : memref<16x1369xf32, #tpu.memory_space<hbm>>)
    %dma_wait3A_30 = arith.constant 0 : i32
    %dma_wait3A_31 = arith.constant 0 : i32
    %dma_wait3A_32 = tpu.memref_slice %arg5[%mul3A_2, %dma_wait3A_30, %dma_wait3A_31] : memref<512x64x1369xf32, #tpu.memory_space<hbm>> -> memref<1x16x1369xf32, #tpu.memory_space<hbm>>
    %dma_wait3A_33 = tpu.memref_squeeze %dma_wait3A_32 : memref<1x16x1369xf32, #tpu.memory_space<hbm>> -> memref<16x1369xf32, #tpu.memory_space<hbm>>
    %dma_wait3A_34 = arith.constant 0 : i32
    %dma_wait3A_35 = arith.constant 0 : i32
    %dma_wait3A_36 = tpu.memref_slice %arg5[%mul3A_2, %dma_wait3A_34, %dma_wait3A_35] : memref<512x64x1369xf32, #tpu.memory_space<hbm>> -> memref<1x16x1369xf32, #tpu.memory_space<hbm>>
    %dma_wait3A_37 = tpu.memref_squeeze %dma_wait3A_36 : memref<1x16x1369xf32, #tpu.memory_space<hbm>> -> memref<16x1369xf32, #tpu.memory_space<hbm>>
    tpu.wait_dma2 semaphore(%arg14 : memref<!tpu.dma_semaphore, #tpu.memory_space<semaphore_mem>>) src(%arg9 : memref<16x1369xf32, #tpu.memory_space<vmem>>) dst(%dma_wait3A_37 : memref<16x1369xf32, #tpu.memory_space<hbm>>)
    return
  }
}

</mosaic_0001>

<sc_bundles>
// kernel: kernel.3.cloned.1.call-start
scs
__scs_entry_jumppad:
0x0: {  	(pc) =	sbr.rel $0x88, $3  }
0x1: {  	(tag) =	ssettag $0x0;
	lr =	simm.s32 $0x1  }
0x2: {  	[smem:$0x3FA0] =	sst lr;
	_ =	strace $0xD0000000  }
0x3: {  	_ = 	snop  }
0x4: {  	_ = 	snop  }
0x5: {  	_ = 	snop  }
0x6: {  	_ = 	snop  }
0x7: {  	_ = 	snop  }
__scs_overlays_trampoline_lowered:
0x8: {  	[smem:$0x3FAF] =	sst s0  }
0x9: {  	[smem:$0x3FB0] =	sst s1  }
0xa: {  	[smem:$0x3FB1] =	sst s2  }
0xb: {  	[smem:$0x3FB2] =	sst s3  }
0xc: {  	[smem:$0x3FB3] =	sst s4  }
0xd: {  	[smem:$0x3FB4] =	sst s5  }
0xe: {  	[smem:$0x3FB5] =	sst s6  }
0xf: {  	[smem:$0x3FB6] =	sst s7  }
0x10: {  	[smem:$0x3FB7] =	sst s8  }
0x11: {  	[smem:$0x3FB8] =	sst s9;
	s0 =	simm.s32 @!p0 $0x0  }
0x12: {  	s1 =	sld [smem:$0x3F9E];
	s0 =	simm.s32 @p0 $0x1  }
0x13: {  	[smem:$0x3FB9] =	sst s0;
	s0 =	simm.s32 @!p1 $0x0  }
0x14: {  	s2 =	sld [smem:$0x3F9D];
	s0 =	simm.s32 @p1 $0x1  }
0x15: {  	[smem:$0x3FBA] =	sst s0;
	s0 =	simm.s32 @!p2 $0x0  }
0x16: {  	s3 =	sld [smem:$0x3FDB];
	s0 =	simm.s32 @p2 $0x1  }
0x17: {  	s4 =	simm.s32 $0x1BF5;
	[smem:$0x3FBC] =	sst s0  }
0x18: {  	s0 =	sld [smem:$0x3F9F];
	_ =	swait.ge [sflag:s4], $0x0  }
0x19: {  	s7 =	sld [smem:$0x3FA0]  }
0x1a: {  	s8 =	sadd.s32 $0xFFFFE003, lr  }
0x1b: {  	s9 =	sadd.s32 $0xFFFFFEF7, lr;
	s5 =	simm.s32 $0xFFFFFFFF;
	p2 =	slt.u32 s8, $0xFFFFF086  }
0x1c: {  	p1 =	slt.u32 s9, $0xF7A;
	s5 =	simm.s32 @!p2 $0x0  }
0x1d: {  	s5 =	simm.s32 @p1 $0x1;
	p0 =	seq.s32 s7, s2  }
0x1e: {  	s7 =	smul.u32 @!p0 $0xF7A, s2;
	p2 =	seq.s32 @!p0 s5, $0x0  }
0x1f: {  	s9 =	smul.u32 $0xF7A, s1;
	s8 =	simm.s32 @!p0 $0x1BF5;
	p2 =	por !p2, p0  }
0x20: {  	[sflag:s8] =	ssyncset.s32 @!p0 $0xFFFFF086;
	s6 =	sadd.s32 @!p0 s3, s7;
	s7 =	simm.s32 @!p0 $0x108  }
0x21: {  	s3 =	sadd.s32 s3, s9;
	s6 =	sadd.s32 @!p0 $0x88, s6;
	s7 =	simm.s32 @p2 $0x1082  }
0x22: {  	[simem:s7], [sflag:s8] =	dma.local @!p0 [hbm:s6], $0xF7A  }
0x23: {  	s9 =	sor.u32 $0xD0000000, s2;
	s6 =	simm.s32 $0x108;
	_ =	swait.ge @!p0 [sflag:s8], $0x0  }
0x24: {  	s3 =	sadd.s32 $0x88, s3;
	s6 =	simm.s32 @!p1 $0x1082;
	[sflag:s4] =	ssyncset.s32 $0xFFFFF086  }
0x25: {  	[simem:s6], [sflag:s4] =	dma.local [hbm:s3], $0xF7A  }
0x26: {  	[smem:$0x3FA0] =	sst s1;
	(tag) =	ssettag s2;
	_ =	strace s9  }
0x27: {  	s1 =	sld [smem:$0x3FB0]  }
0x28: {  	s2 =	sld [smem:$0x3FB1]  }
0x29: {  	s4 =	sld [smem:$0x3FB3]  }
0x2a: {  	p0 =	seq.s32 s5, $0x0;
	s5 =	sld [smem:$0x3FB4]  }
0x2b: {  	s6 =	sld [smem:$0x3FB5]  }
0x2c: {  	s7 =	sld [smem:$0x3FB6]  }
0x2d: {  	s3 =	simm.s32 $0x108;
	s8 =	sld [smem:$0x3FB7]  }
0x2e: {  	s3 =	simm.s32 @!p0 $0x1082;
	s9 =	sld [smem:$0x3FB8]  }
0x2f: {  	lr =	sadd.s32 s0, s3;
	s0 =	sld [smem:$0x3FAF]  }
0x30: {  	s3 =	sld [smem:$0x3FB2]  }
0x31: {  	[smem:$0x3FBB] =	sst s10  }
0x32: {  	s10 =	sld [smem:$0x3FB9];
	_ =	sdelay $0x3  }
0x33: {  	p0 =	seq.s32 s10, $0x1;
	s10 =	sld [smem:$0x3FBB];
	_ =	sdelay $0x3  }
0x34: {  	[smem:$0x3FBB] =	sst s10  }
0x35: {  	s10 =	sld [smem:$0x3FBA];
	_ =	sdelay $0x3  }
0x36: {  	p1 =	seq.s32 s10, $0x1;
	s10 =	sld [smem:$0x3FBB];
	_ =	sdelay $0x3  }
0x37: {  	[smem:$0x3FBB] =	sst s10  }
0x38: {  	s10 =	sld [smem:$0x3FBC]  }
0x39: {  	_ = 	snop;
	(pc) =	sbr.ind lr, $3  }
0x3a: {  	_ = 	snop  }
0x3b: {  	_ = 	snop  }
0x3c: {  	p2 =	seq.s32 s10, $0x1;
	s10 =	sld [smem:$0x3FBB]  }
0x3d: {  	_ =	shalt  }
0x3e: {  	_ =	shalt  }
0x3f: {  	_ =	shalt  }
0x40: {  	_ =	shalt  }
0x41: {  	_ =	shalt  }
0x42: {  	_ =	shalt  }
0x43: {  	_ =	shalt  }
0x44: {  	_ =	shalt  }
0x45: {  	_ =	shalt  }
0x46: {  	_ =	shalt  }
0x47: {  	_ =	shalt  }
0x48: {  	_ =	shalt  }
0x49: {  	_ =	shalt  }
0x4a: {  	_ =	shalt  }
0x4b: {  	_ =	shalt  }
0x4c: {  	_ =	shalt  }
0x4d: {  	_ =	shalt  }
0x4e: {  	_ =	shalt  }
0x4f: {  	_ =	shalt  }
0x50: {  	_ =	shalt  }
0x51: {  	_ =	shalt  }
0x52: {  	_ =	shalt  }
0x53: {  	_ =	shalt  }
0x54: {  	_ =	shalt  }
0x55: {  	_ =	shalt  }
0x56: {  	_ =	shalt  }
0x57: {  	_ =	shalt  }
0x58: {  	_ =	shalt  }
0x59: {  	_ =	shalt  }
0x5a: {  	_ =	shalt  }
0x5b: {  	_ =	shalt  }
0x5c: {  	_ =	shalt  }
0x5d: {  	_ =	shalt  }
0x5e: {  	_ =	shalt  }
0x5f: {  	_ =	shalt  }
0x60: {  	_ =	shalt  }
0x61: {  	_ =	shalt  }
0x62: {  	_ =	shalt  }
0x63: {  	_ =	shalt  }
0x64: {  	_ =	shalt  }
0x65: {  	_ =	shalt  }
0x66: {  	_ =	shalt  }
0x67: {  	_ =	shalt  }
0x68: {  	_ =	shalt  }
0x69: {  	_ =	shalt  }
0x6a: {  	_ =	shalt  }
0x6b: {  	_ =	shalt  }
0x6c: {  	_ =	shalt  }
0x6d: {  	_ =	shalt  }
0x6e: {  	_ =	shalt  }
0x6f: {  	_ =	shalt  }
0x70: {  	_ =	shalt  }
0x71: {  	_ =	shalt  }
0x72: {  	_ =	shalt  }
0x73: {  	_ =	shalt  }
0x74: {  	_ =	shalt  }
0x75: {  	_ =	shalt  }
0x76: {  	_ =	shalt  }
0x77: {  	_ =	shalt  }
0x78: {  	_ =	shalt  }
0x79: {  	_ =	shalt  }
0x7a: {  	_ =	shalt  }
0x7b: {  	_ =	shalt  }
0x7c: {  	_ =	shalt  }
0x7d: {  	_ =	shalt  }
0x7e: {  	_ =	shalt  }
0x7f: {  	_ =	shalt  }
0x80: {  	_ =	shalt  }
0x81: {  	_ =	shalt  }
0x82: {  	_ =	shalt  }
0x83: {  	_ =	shalt  }
0x84: {  	_ =	shalt  }
0x85: {  	_ =	shalt  }
0x86: {  	_ =	shalt  }
0x87: {  	_ =	shalt  }
.Lfunc_end0:
.L_simem_size_0:
called_computation.1_lowered:
.L_overlay_start_0:
0x88: {  	s2 =	sld [smem:$0x3FD9]  }
0x89: {  	s3 =	sld [smem:$0x3FFE];
	_ =	sdelay $0x1  }
0x8a: {  	s1 =	srdreg.scid  }
0x8b: {  	s0 =	sand.u32 $0x1, s1  }
0x8c: {  	s17 =	sshll.u32 s0, $0xA;
	s2 =	sadd.s32 s3, s2  }
0x8d: {  	s2 =	sadd.s32 s2, s17  }
0x8e: {  	[smem:$0x3FC7] =	sst s2  }
0x8f: {  	_ = 	snop  }
0x90: {  	s2 =	sld [smem:$0x3FD0];
	(tm) =	ssettm $0x1  }
0x91: {  	s18 =	sld [smem:$0x3FFB];
	_ =	sdelay $0x3  }
0x92: {  	_ =	strace s18  }
0x93: {  	s3 =	sld [smem:$0x3FFC];
	_ =	sdelay $0x3  }
0x94: {  	_ =	strace s3  }
0x95: {  	s3 =	sld [smem:$0x3FFD];
	_ =	sdelay $0x3  }
0x96: {  	_ =	strace s3  }
0x97: {  	_ =	strace $0x8FFFFFFF  }
0x98: {  	s19 =	sld [smem:$0x3FDB];
	_ =	sdelay $0x1  }
0x99: {  	s4 =	simm.s32 $_scs_section_size  }
0x9a: {  	s5 =	simm.s32 $_size__tile_overlayer_lowered;
	s6 =	simm.s32 $_tile_overlayer_lowered  }
0x9b: {  	s22 =	simm.s32 $0x1BFF;
	s21 =	sshll.u32 s6, $0x1;
	s3 =	sadd.s32 s4, s19  }
0x9c: {  	s7 =	simm.s32 $0x0;
	s20 =	sshll.u32 s5, $0x1;
	s5 =	sadd.s32 s21, s3  }
0x9d: {  	[timem:s7], [sflag:s22] =	dma.local [hbm:s5], s20  }
0x9e: {  	_ =	swait.ge [sflag:s22], s20  }
0x9f: {  	s4 =	ssub.s32 $0x0, s20;
	[sflag:s22] =	ssyncset.done $0x0  }
0xa0: {  	[sflag:s22] =	ssyncadd.s32 s4;
	_ =	sdelay $0x1  }
0xa1: {  	s23 =	simm.s32 $0x1B8B  }
0xa2: {  	_ =	swait.ge [sflag:s23], $0x1  }
0xa3: {  	[sflag:s23] =	ssyncset.done $0x0  }
0xa4: {  	s25 =	simm.s32 $0x1B8E;
	s24 =	sld [smem:$0x3FFE];
	[sflag:s23] =	ssyncadd.s32 $0xFFFFFFFF  }
0xa5: {  	s26 =	simm.s32 $execute0_lowered;
	[smem:$0x3FD2] =	sst s25  }
0xa6: {  	s5 =	sshll.u32 s26, $0x1;
	_ =	strace $0x80000046;
	[dreg:$0x1] =	wrdreg $0xFFFFFFFF  }
0xa7: {  	s28 =	simm.s32 $_size_execute0_lowered;
	s3 =	sadd.s32 s3, s5;
	[dreg:$0x0] =	wrdreg $0x0  }
0xa8: {  	s5 =	sshll.u32 s28, $0x1;
	[dreg:$0x2] =	wrdreg s3  }
0xa9: {  	[dreg:$0x3] =	wrdreg s5  }
0xaa: {  	[dreg:$0x4] =	wrdreg $0xC0  }
0xab: {  	_ =	task [dreg:s7], $0x5FFFF  }
0xac: {  	[dreg:$0x1] =	wrdreg $0xFFFFFFFF  }
0xad: {  	[dreg:$0x0] =	wrdreg $0x60  }
0xae: {  	[dreg:$0x2] =	wrdreg s2  }
0xaf: {  	[dreg:$0x3] =	wrdreg s24  }
0xb0: {  	[dreg:$0x4] =	wrdreg $0x9  }
0xb1: {  	_ =	task.clear_ibuf [dreg:s7], $0x5FFFF;
	_ =	strace $0x90000046  }
0xb2: {  	s29 =	simm.s32 $0x9;
	_ =	strace $0x80000048  }
0xb3: {  	_ =	swait.ge [sflag:s29], $0x1  }
0xb4: {  	[sflag:s29] =	ssyncadd.s32 $0xFFFFFFFF  }
0xb5: {  	_ =	strace $0x90000048  }
0xb6: {  	_ =	sfence  }
0xb7: {  	s30 =	sld [smem:$0x0];
	_ =	sdelay $0x2  }
0xb8: {  	s31 =	sshll.u32 s1, $0xD;
	s1 =	sshrl.u32 s1, $0x2  }
0xb9: {  	s3 =	sand.u32 $0x4000, s31;
	s1 =	sadd.s32 s1, s30  }
0xba: {  	s0 =	sor.u32 s3, s0;
	s1 =	sshll.u32 s1, $0x11  }
0xbb: {  	s0 =	sor.u32 s1, s0  }
0xbc: {  	s0 =	sadd.s32 $0x8F2B, s0  }
0xbd: {  	[sflag:s0] =	ssyncadd.remote.s32 $0x1  }
0xbe: {  	_ =	sfence.sel $0xFFFF  }
0xbf: {  	[dreg:$0x0] =	wrdreg $0xFFFFFFFF;
	(pc) =	sbr.abs _section_cstart, $3  }
0xc0: {  	[dreg:$0x1] =	wrdreg $0xFFFFFFFF  }
0xc1: {  	_ =	task.clear_ibuf [dreg:s7], $0x2FFFF;
	_ =	strace $0x9FFFFFFF  }
0xc2: {  	(tm) =	ssettm $0x7FFFFFFF  }
0xc3: {  	_ =	shalt  }
tec
execute0_lowered:
.L_overlay_start_1:
0x0: {  	(tag) =	ssettag $0x1  }
0x1: {  	s1 =	rddreg [dreg:$0x0]  }
0x2: {  	s7 =	rddreg [dreg:$0x1]  }
0x3: {  	s0 =	rddreg [dreg:$0x2];
	s4 =	srdreg.scid  }
0x4: {  	s3 =	simm.s32 $0x0;
	s2 =	stileid.u32;
	s11 =	simm.s32 $0x5  }
0x5: {  	s12 =	simm.s32 $0xC600;
	s13 =	simm.s32 $0x11C00;
	s14 =	simm.s32 $0x1  }
0x6: {  	s15 =	simm.s32 $0x2;
	s16 =	simm.s32 $0x6300;
	s17 =	simm.s32 $0x3  }
0x7: {  	s18 =	simm.s32 $0x4;
	s19 =	simm.s32 $0x0;
	s4 =	sand.u32 $0x1, s4  }
0x8: {  	[smem:$0x7FF] =	sst s3;
	s5 =	sshll.u32 s2, $0x5;
	s6 =	sshll.u32 s4, $0x4  }
0x9: {  	_ =	strace $0x80000047;
	s8 =	ssub.s32 $0x2, s4;
	s4 =	sor.u32 s6, s5  }
0xa: {  	s5 =	sadd.s32 $0x1600, s7;
	s9 =	sshrl.u32 s8, $0x1;
	s10 =	smul.u32 $0x2078, s4  }
0xb: {  	s6 =	sadd.s32 $0xA00, s7;
	s7 =	sadd.s32 $0x1800, s7;
	s9 =	ssub.s32 s8, s9  }
0xc: {  	v0 =	vlaneseq.u32;
	s9 =	smax.u32 s9, $0x1;
	s8 =	sadd.s32 s1, s10;
	s10 =	simm.s32 $0x17200  }
.LBB2_1:
0xd: {  	[tilespmem:s10], [sflag:$0x5] =	stream.linear.gather [hbm4b:s5+s3], $0x410, $0x38;
	[tilespmem:$0x17610] =	vst v63  }
0xe: {  	_ =	swait.ge [sflag:s11], $0x410  }
0xf: {  	[sflag:s11] =	ssyncset.done $0x0  }
0x10: {  	[sflag:s11] =	ssyncadd.s32 $0xFFFFFBF0  }
0x11: {  	[tilespmem:s12], [sflag:$0x5] =	stream.linear.gather [hbm4b:s6+s3], $0x5600, $0x38;
	[tilespmem:$0x17610] =	vst v63  }
0x12: {  	_ =	swait.ge [sflag:s11], $0x5600  }
0x13: {  	[sflag:s11] =	ssyncset.done $0x0  }
0x14: {  	[sflag:s11] =	ssyncadd.s32 $0xFFFFAA00  }
0x15: {  	[tilespmem:s13], [sflag:$0x5] =	stream.linear.gather [hbm4b:s6+s3], $0x5600, $0x38;
	[tilespmem:$0x17610] =	vst v63  }
0x16: {  	_ =	swait.ge [sflag:s11], $0x5600  }
0x17: {  	s20 =	sadd.s32 $0x0, s8;
	[sflag:s11] =	ssyncset.done $0x0  }
0x18: {  	s21 =	simm.s32 $0x8;
	s22 =	simm.s32 $0x0;
	[sflag:s11] =	ssyncadd.s32 $0xFFFFAA00  }
0x19: {  	[tilespmem:s3], [sflag:$0x1] =	stream.linear.gather [hbm4b:s20+s3], $0x10, $0x38;
	[tilespmem:$0x17610] =	vst v63  }
.LBB2_2:
0x1a: {  	p0 =	sne.s32 s21, $0x2070  }
.Ltmp0:
0x1b: {  	_ = 	snop;
	(pc) =	sbr.rel @p0 .LBB2_2-.Ltmp0, $4  }
0x1c: {  	_ = 	snop  }
0x1d: {  	s23 =	sadd.s32 s21, s8;
	s22 =	sadd.s32 $0x18, s22  }
0x1e: {  	s20 =	simm.s32 $0x0;
	s21 =	sadd.s32 $0x8, s21  }
0x1f: {  	[tilespmem:s22], [sflag:$0x1] =	stream.linear.gather [hbm4b:s23+s20], $0x10, $0x38;
	[tilespmem:$0x17610] =	vst v63  }
.LBB2_3:
0x20: {  	s21 =	sshrl.u32 s20, $0x1  }
0x21: {  	s21 =	sor.u32 s4, s21  }
0x22: {  	s22 =	sshll.u32 s20, $0x5;
	s23 =	smul.u32 $0x103C0, s21  }
0x23: {  	s22 =	sand.u32 $0x20, s22  }
0x24: {  	s23 =	sor.u32 s23, s22  }
0x25: {  	s23 =	sor.u32 $0x10, s23  }
0x26: {  	_ =	swait.ge [sflag:s14], $0x40F0;
	s24 =	simm.s32 $0x6300;
	s23 =	sshrl.u32 s23, $0x3  }
0x27: {  	s25 =	simm.s32 $0x8;
	[sflag:s14] =	ssyncset.done $0x0;
	s23 =	sadd.s32 s1, s23  }
0x28: {  	s26 =	simm.s32 $0x6318;
	[sflag:s14] =	ssyncadd.s32 $0xFFFFBF10;
	s28 =	sadd.s32 $0x0, s23  }
.LBB2_4:
0x29: {  	[tilespmem:s24], [sflag:$0x2] =	stream.linear.gather [hbm4b:s28+s3], $0x10, $0x38;
	[tilespmem:$0x17610] =	vst v63  }
0x2a: {  	s28 =	smov.u32 s25;
	s24 =	smov.u32 s26;
	p0 =	sne.s32 s25, $0x2070  }
.Ltmp1:
0x2b: {  	s25 =	sadd.s32 $0x8, s25;
	(pc) =	sbr.rel @p0 .LBB2_4-.Ltmp1, $2  }
0x2c: {  	_ =	sdelay $0x2  }
0x2d: {  	s26 =	sadd.s32 $0x18, s26;
	s28 =	sadd.s32 s28, s23  }
0x2e: {  	[tilespmem:s24], [sflag:$0x2] =	stream.linear.gather [hbm4b:s28+s3], $0x10, $0x38;
	[tilespmem:$0x17610] =	vst v63  }
0x2f: {  	p0 =	seq.s32 s20, $0x0;
	s23 =	simm.s32 $0x0  }
0x30: {  	s24 =	simm.s32 @!p0 $0x3;
	v1 =	vor.u32 s23, v0  }
0x31: {  	_ =	swait.ge @!p0 [sflag:s24], $0x5600;
	v2 =	vmul.u32 $0x18, v1  }
0x32: {  	[sflag:s24] =	ssyncset.done @!p0 $0x0  }
0x33: {  	[sflag:s24] =	ssyncadd.s32 @!p0 $0xFFFFAA00;
	s24 =	simm.s32 $0x17200  }
0x34: {  	v5 =	vld [tilespmem:s24+$0x0];
	_ =	sdelay $0x1  }
0x35: {  	vm0 =	vlt.u32 v1, $0x403  }
0x36: {  	v1 =	vld.idx.msk [tilespmem:v2+s3+$0x0], $0xffff  }
0x37: {  	v3 =	vor.u32 $0x1, v2;
	_ =	sdelay $0x3  }
0x38: {  	[tilespmem:v5+s12+$0x0] =	vst.idx.msk vm0, v1  }
0x39: {  	v1 =	vld.idx.msk [tilespmem:v3+s3+$0x0], $0xffff;
	v3 =	vadd.s32 $0x560, v5  }
0x3a: {  	v4 =	vor.u32 $0x2, v2;
	_ =	sdelay $0x3  }
0x3b: {  	[tilespmem:v3+s12+$0x0] =	vst.idx.msk vm0, v1  }
0x3c: {  	v3 =	vadd.s32 $0xAC0, v5;
	v1 =	vld.idx.msk [tilespmem:v4+s3+$0x0], $0xffff  }
0x3d: {  	v4 =	vor.u32 $0x3, v2;
	_ =	sdelay $0x3  }
0x3e: {  	[tilespmem:v3+s12+$0x0] =	vst.idx.msk vm0, v1  }
0x3f: {  	v3 =	vadd.s32 $0x1020, v5;
	v1 =	vld.idx.msk [tilespmem:v4+s3+$0x0], $0xffff  }
0x40: {  	v4 =	vor.u32 $0x4, v2;
	_ =	sdelay $0x3  }
0x41: {  	[tilespmem:v3+s12+$0x0] =	vst.idx.msk vm0, v1  }
0x42: {  	v3 =	vadd.s32 $0x1580, v5;
	v1 =	vld.idx.msk [tilespmem:v4+s3+$0x0], $0xffff  }
0x43: {  	v4 =	vor.u32 $0x5, v2;
	_ =	sdelay $0x3  }
0x44: {  	[tilespmem:v3+s12+$0x0] =	vst.idx.msk vm0, v1  }
0x45: {  	v3 =	vadd.s32 $0x1AE0, v5;
	v1 =	vld.idx.msk [tilespmem:v4+s3+$0x0], $0xffff  }
0x46: {  	v4 =	vor.u32 $0x6, v2;
	_ =	sdelay $0x3  }
0x47: {  	[tilespmem:v3+s12+$0x0] =	vst.idx.msk vm0, v1  }
0x48: {  	v3 =	vadd.s32 $0x2040, v5;
	v1 =	vld.idx.msk [tilespmem:v4+s3+$0x0], $0xffff  }
0x49: {  	v4 =	vor.u32 $0x7, v2;
	_ =	sdelay $0x3  }
0x4a: {  	[tilespmem:v3+s12+$0x0] =	vst.idx.msk vm0, v1  }
0x4b: {  	v3 =	vadd.s32 $0x25A0, v5;
	v1 =	vld.idx.msk [tilespmem:v4+s3+$0x0], $0xffff  }
0x4c: {  	v4 =	vadd.s32 $0x8, v2;
	_ =	sdelay $0x3  }
0x4d: {  	[tilespmem:v3+s12+$0x0] =	vst.idx.msk vm0, v1  }
0x4e: {  	v3 =	vadd.s32 $0x2B00, v5;
	v1 =	vld.idx.msk [tilespmem:v4+s3+$0x0], $0xffff  }
0x4f: {  	v4 =	vadd.s32 $0x9, v2;
	_ =	sdelay $0x3  }
0x50: {  	[tilespmem:v3+s12+$0x0] =	vst.idx.msk vm0, v1  }
0x51: {  	v3 =	vadd.s32 $0x3060, v5;
	v1 =	vld.idx.msk [tilespmem:v4+s3+$0x0], $0xffff  }
0x52: {  	v4 =	vadd.s32 $0xA, v2;
	_ =	sdelay $0x3  }
0x53: {  	[tilespmem:v3+s12+$0x0] =	vst.idx.msk vm0, v1  }
0x54: {  	v3 =	vadd.s32 $0x35C0, v5;
	v1 =	vld.idx.msk [tilespmem:v4+s3+$0x0], $0xffff  }
0x55: {  	v4 =	vadd.s32 $0xB, v2;
	_ =	sdelay $0x3  }
0x56: {  	[tilespmem:v3+s12+$0x0] =	vst.idx.msk vm0, v1  }
0x57: {  	v3 =	vadd.s32 $0x3B20, v5;
	v1 =	vld.idx.msk [tilespmem:v4+s3+$0x0], $0xffff  }
0x58: {  	v4 =	vadd.s32 $0xC, v2;
	_ =	sdelay $0x3  }
0x59: {  	[tilespmem:v3+s12+$0x0] =	vst.idx.msk vm0, v1  }
0x5a: {  	v3 =	vadd.s32 $0x4080, v5;
	v1 =	vld.idx.msk [tilespmem:v4+s3+$0x0], $0xffff  }
0x5b: {  	v4 =	vadd.s32 $0xD, v2;
	_ =	sdelay $0x3  }
0x5c: {  	[tilespmem:v3+s12+$0x0] =	vst.idx.msk vm0, v1  }
0x5d: {  	v3 =	vadd.s32 $0x45E0, v5;
	v1 =	vld.idx.msk [tilespmem:v4+s3+$0x0], $0xffff  }
0x5e: {  	v4 =	vadd.s32 $0xE, v2;
	_ =	sdelay $0x3  }
0x5f: {  	[tilespmem:v3+s12+$0x0] =	vst.idx.msk vm0, v1  }
0x60: {  	v3 =	vadd.s32 $0x4B40, v5;
	v1 =	vld.idx.msk [tilespmem:v4+s3+$0x0], $0xffff  }
0x61: {  	v2 =	vadd.s32 $0xF, v2;
	_ =	sdelay $0x3  }
0x62: {  	[tilespmem:v3+s12+$0x0] =	vst.idx.msk vm0, v1  }
0x63: {  	s31 =	simm.s32 $0x10;
	v4 =	vld.idx.msk [tilespmem:v2+s3+$0x0], $0xffff;
	v2 =	vadd.s32 $0x50A0, v5  }
0x64: {  	v3 =	vor.u32 s31, v0  }
0x65: {  	s25 =	simm.s32 $0x20;
	s23 =	sshll.u32 s20, $0x1;
	v1 =	vmul.u32 $0x18, v3  }
.LBB2_6:
0x66: {  	_ = 	snop  }
0x67: {  	p1 =	sne.s32 s25, $0x400  }
0x68: {  	s24 =	sadd.s32 $0x10, s24;
	s26 =	smov.u32 s25;
	s25 =	sadd.s32 $0x10, s25;
	[tilespmem:v2+s12+$0x0] =	vst.idx.msk vm0, v4  }
0x69: {  	v2 =	vld [tilespmem:s24+$0x0];
	_ =	sdelay $0x1  }
0x6a: {  	vm0 =	vlt.u32 v3, $0x403;
	v3 =	vld.idx.msk [tilespmem:v1+s3+$0x0], $0xffff;
	_ =	sdelay $0x1  }
0x6b: {  	v4 =	vor.u32 $0x1, v1;
	_ =	sdelay $0x3  }
0x6c: {  	[tilespmem:v2+s12+$0x0] =	vst.idx.msk vm0, v3  }
0x6d: {  	v3 =	vld.idx.msk [tilespmem:v4+s3+$0x0], $0xffff  }
0x6e: {  	v4 =	vadd.s32 $0x560, v2  }
0x6f: {  	v5 =	vor.u32 $0x2, v1;
	_ =	sdelay $0x3  }
0x70: {  	[tilespmem:v4+s12+$0x0] =	vst.idx.msk vm0, v3  }
0x71: {  	v3 =	vld.idx.msk [tilespmem:v5+s3+$0x0], $0xffff  }
0x72: {  	v4 =	vadd.s32 $0xAC0, v2  }
0x73: {  	v5 =	vor.u32 $0x3, v1;
	_ =	sdelay $0x3  }
0x74: {  	[tilespmem:v4+s12+$0x0] =	vst.idx.msk vm0, v3  }
0x75: {  	v3 =	vld.idx.msk [tilespmem:v5+s3+$0x0], $0xffff  }
0x76: {  	v4 =	vadd.s32 $0x1020, v2  }
0x77: {  	v5 =	vor.u32 $0x4, v1;
	_ =	sdelay $0x3  }
0x78: {  	[tilespmem:v4+s12+$0x0] =	vst.idx.msk vm0, v3  }
0x79: {  	v3 =	vld.idx.msk [tilespmem:v5+s3+$0x0], $0xffff  }
0x7a: {  	v4 =	vadd.s32 $0x1580, v2  }
0x7b: {  	v5 =	vor.u32 $0x5, v1;
	_ =	sdelay $0x3  }
0x7c: {  	[tilespmem:v4+s12+$0x0] =	vst.idx.msk vm0, v3  }
0x7d: {  	v3 =	vld.idx.msk [tilespmem:v5+s3+$0x0], $0xffff  }
0x7e: {  	v4 =	vadd.s32 $0x1AE0, v2  }
0x7f: {  	v5 =	vor.u32 $0x6, v1;
	_ =	sdelay $0x3  }
0x80: {  	[tilespmem:v4+s12+$0x0] =	vst.idx.msk vm0, v3  }
0x81: {  	v3 =	vld.idx.msk [tilespmem:v5+s3+$0x0], $0xffff  }
0x82: {  	v4 =	vadd.s32 $0x2040, v2  }
0x83: {  	v5 =	vor.u32 $0x7, v1;
	_ =	sdelay $0x3  }
0x84: {  	[tilespmem:v4+s12+$0x0] =	vst.idx.msk vm0, v3  }
0x85: {  	v3 =	vld.idx.msk [tilespmem:v5+s3+$0x0], $0xffff  }
0x86: {  	v4 =	vadd.s32 $0x25A0, v2  }
0x87: {  	v5 =	vadd.s32 $0x8, v1;
	_ =	sdelay $0x3  }
0x88: {  	[tilespmem:v4+s12+$0x0] =	vst.idx.msk vm0, v3  }
0x89: {  	v3 =	vld.idx.msk [tilespmem:v5+s3+$0x0], $0xffff  }
0x8a: {  	v4 =	vadd.s32 $0x2B00, v2  }
0x8b: {  	v5 =	vadd.s32 $0x9, v1;
	_ =	sdelay $0x3  }
0x8c: {  	[tilespmem:v4+s12+$0x0] =	vst.idx.msk vm0, v3  }
0x8d: {  	v3 =	vld.idx.msk [tilespmem:v5+s3+$0x0], $0xffff  }
0x8e: {  	v4 =	vadd.s32 $0x3060, v2  }
0x8f: {  	v5 =	vadd.s32 $0xA, v1;
	_ =	sdelay $0x3  }
0x90: {  	[tilespmem:v4+s12+$0x0] =	vst.idx.msk vm0, v3  }
0x91: {  	v3 =	vld.idx.msk [tilespmem:v5+s3+$0x0], $0xffff  }
0x92: {  	v4 =	vadd.s32 $0x35C0, v2  }
0x93: {  	v5 =	vadd.s32 $0xB, v1;
	_ =	sdelay $0x3  }
0x94: {  	[tilespmem:v4+s12+$0x0] =	vst.idx.msk vm0, v3  }
0x95: {  	v3 =	vld.idx.msk [tilespmem:v5+s3+$0x0], $0xffff  }
0x96: {  	v4 =	vadd.s32 $0x3B20, v2  }
0x97: {  	v5 =	vadd.s32 $0xC, v1;
	_ =	sdelay $0x3  }
0x98: {  	[tilespmem:v4+s12+$0x0] =	vst.idx.msk vm0, v3  }
0x99: {  	v3 =	vld.idx.msk [tilespmem:v5+s3+$0x0], $0xffff  }
0x9a: {  	v4 =	vadd.s32 $0x4080, v2  }
0x9b: {  	v5 =	vadd.s32 $0xD, v1;
	_ =	sdelay $0x3  }
0x9c: {  	[tilespmem:v4+s12+$0x0] =	vst.idx.msk vm0, v3  }
0x9d: {  	v3 =	vld.idx.msk [tilespmem:v5+s3+$0x0], $0xffff  }
0x9e: {  	v4 =	vadd.s32 $0x45E0, v2  }
0x9f: {  	v5 =	vadd.s32 $0xE, v1;
	_ =	sdelay $0x3  }
0xa0: {  	[tilespmem:v4+s12+$0x0] =	vst.idx.msk vm0, v3  }
0xa1: {  	v3 =	vld.idx.msk [tilespmem:v5+s3+$0x0], $0xffff  }
0xa2: {  	v4 =	vadd.s32 $0x4B40, v2  }
0xa3: {  	v1 =	vadd.s32 $0xF, v1;
	_ =	sdelay $0x3  }
.Ltmp2:
0xa4: {  	[tilespmem:v4+s12+$0x0] =	vst.idx.msk vm0, v3;
	(pc) =	sbr.rel @p1 .LBB2_6-.Ltmp2, $4  }
0xa5: {  	v4 =	vld.idx.msk [tilespmem:v1+s3+$0x0], $0xffff  }
0xa6: {  	v2 =	vadd.s32 $0x50A0, v2  }
0xa7: {  	v3 =	vor.u32 s26, v0  }
0xa8: {  	v1 =	vmul.u32 $0x18, v3  }
0xa9: {  	_ =	sdelay $0x4  }
0xaa: {  	s24 =	sadd.s32 $0x10, s24;
	[tilespmem:v2+s12+$0x0] =	vst.idx.msk vm0, v4  }
0xab: {  	v2 =	vld [tilespmem:s24+$0x0];
	_ =	sdelay $0x1  }
0xac: {  	vm15 =	vlt.u32 v3, $0x403  }
0xad: {  	v3 =	vld.idx.msk [tilespmem:v1+s3+$0x0], $0xffff  }
0xae: {  	v37 =	vor.u32 $0x1, v1;
	_ =	sdelay $0x3  }
0xaf: {  	[tilespmem:v2+s12+$0x0] =	vst.idx.msk vm15, v3  }
0xb0: {  	v38 =	vadd.s32 $0x560, v2;
	v3 =	vld.idx.msk [tilespmem:v37+s3+$0x0], $0xffff  }
0xb1: {  	v5 =	vor.u32 $0x2, v1;
	_ =	sdelay $0x3  }
0xb2: {  	[tilespmem:v38+s12+$0x0] =	vst.idx.msk vm15, v3  }
0xb3: {  	v39 =	vadd.s32 $0xAC0, v2;
	v3 =	vld.idx.msk [tilespmem:v5+s3+$0x0], $0xffff  }
0xb4: {  	v40 =	vor.u32 $0x3, v1;
	_ =	sdelay $0x3  }
0xb5: {  	[tilespmem:v39+s12+$0x0] =	vst.idx.msk vm15, v3  }
0xb6: {  	v41 =	vadd.s32 $0x1020, v2;
	v3 =	vld.idx.msk [tilespmem:v40+s3+$0x0], $0xffff  }
0xb7: {  	v42 =	vor.u32 $0x4, v1;
	_ =	sdelay $0x3  }
0xb8: {  	[tilespmem:v41+s12+$0x0] =	vst.idx.msk vm15, v3  }
0xb9: {  	v43 =	vadd.s32 $0x1580, v2;
	v3 =	vld.idx.msk [tilespmem:v42+s3+$0x0], $0xffff  }
0xba: {  	v44 =	vor.u32 $0x5, v1;
	_ =	sdelay $0x3  }
0xbb: {  	[tilespmem:v43+s12+$0x0] =	vst.idx.msk vm15, v3  }
0xbc: {  	v45 =	vadd.s32 $0x1AE0, v2;
	v3 =	vld.idx.msk [tilespmem:v44+s3+$0x0], $0xffff  }
0xbd: {  	v46 =	vor.u32 $0x6, v1;
	_ =	sdelay $0x3  }
0xbe: {  	[tilespmem:v45+s12+$0x0] =	vst.idx.msk vm15, v3  }
0xbf: {  	v47 =	vadd.s32 $0x2040, v2;
	v3 =	vld.idx.msk [tilespmem:v46+s3+$0x0], $0xffff  }
0xc0: {  	v48 =	vor.u32 $0x7, v1;
	_ =	sdelay $0x3  }
0xc1: {  	[tilespmem:v47+s12+$0x0] =	vst.idx.msk vm15, v3  }
0xc2: {  	v49 =	vadd.s32 $0x25A0, v2;
	v3 =	vld.idx.msk [tilespmem:v48+s3+$0x0], $0xffff  }
0xc3: {  	v50 =	vadd.s32 $0x8, v1;
	_ =	sdelay $0x3  }
0xc4: {  	[tilespmem:v49+s12+$0x0] =	vst.idx.msk vm15, v3  }
0xc5: {  	v51 =	vadd.s32 $0x2B00, v2;
	v3 =	vld.idx.msk [tilespmem:v50+s3+$0x0], $0xffff  }
0xc6: {  	v52 =	vadd.s32 $0x9, v1;
	_ =	sdelay $0x3  }
0xc7: {  	[tilespmem:v51+s12+$0x0] =	vst.idx.msk vm15, v3  }
0xc8: {  	v53 =	vadd.s32 $0x3060, v2;
	v3 =	vld.idx.msk [tilespmem:v52+s3+$0x0], $0xffff  }
0xc9: {  	v54 =	vadd.s32 $0xA, v1;
	_ =	sdelay $0x3  }
0xca: {  	[tilespmem:v53+s12+$0x0] =	vst.idx.msk vm15, v3  }
0xcb: {  	v55 =	vadd.s32 $0x35C0, v2;
	v3 =	vld.idx.msk [tilespmem:v54+s3+$0x0], $0xffff  }
0xcc: {  	v56 =	vadd.s32 $0xB, v1;
	_ =	sdelay $0x3  }
0xcd: {  	[tilespmem:v55+s12+$0x0] =	vst.idx.msk vm15, v3  }
0xce: {  	v57 =	vadd.s32 $0x3B20, v2;
	v3 =	vld.idx.msk [tilespmem:v56+s3+$0x0], $0xffff  }
0xcf: {  	v58 =	vadd.s32 $0xC, v1;
	_ =	sdelay $0x3  }
0xd0: {  	[tilespmem:v57+s12+$0x0] =	vst.idx.msk vm15, v3  }
0xd1: {  	v59 =	vadd.s32 $0x4080, v2;
	v3 =	vld.idx.msk [tilespmem:v58+s3+$0x0], $0xffff  }
0xd2: {  	v60 =	vadd.s32 $0xD, v1;
	_ =	sdelay $0x3  }
0xd3: {  	[tilespmem:v59+s12+$0x0] =	vst.idx.msk vm15, v3  }
0xd4: {  	v61 =	vadd.s32 $0x45E0, v2;
	v3 =	vld.idx.msk [tilespmem:v60+s3+$0x0], $0xffff  }
0xd5: {  	v62 =	vadd.s32 $0xE, v1;
	_ =	sdelay $0x3  }
0xd6: {  	[tilespmem:v61+s12+$0x0] =	vst.idx.msk vm15, v3  }
0xd7: {  	v63 =	vadd.s32 $0x4B40, v2;
	v3 =	vld.idx.msk [tilespmem:v62+s3+$0x0], $0xffff  }
0xd8: {  	v1 =	vadd.s32 $0xF, v1;
	_ =	sdelay $0x3  }
0xd9: {  	[tilespmem:v63+s12+$0x0] =	vst.idx.msk vm15, v3  }
0xda: {  	s21 =	smul.u32 $0x15800, s21;
	v2 =	vadd.s32 $0x50A0, v2;
	v1 =	vld.idx.msk [tilespmem:v1+s3+$0x0], $0xffff  }
0xdb: {  	s22 =	smul.u32 $0x560, s22;
	_ =	sdelay $0x1  }
0xdc: {  	s22 =	sadd.s32 s22, s21  }
0xdd: {  	s22 =	sshrl.u32 s22, $0x3  }
0xde: {  	s22 =	sadd.s32 s7, s22;
	[tilespmem:v2+s12+$0x0] =	vst.idx.msk vm15, v1  }
0xdf: {  	[hbm4b:s22+s3] =	stream.linear.scatter [tilespmem:s12], [sflag:$0x3], $0x5600, $0x38;
	[tilespmem:$0x17610] =	vst v63  }
0xe0: {  	s22 =	sor.u32 $0x1, s23  }
0xe1: {  	p1 =	sgt.u32 s22, $0x3E  }
.Ltmp3:
0xe2: {  	_ = 	snop;
	(pc) =	sbr.rel @p1 .LBB2_11-.Ltmp3, $4  }
0xe3: {  	_ = 	snop  }
0xe4: {  	_ =	swait.ge [sflag:s15], $0x40F0  }
0xe5: {  	[sflag:s15] =	ssyncset.done $0x0  }
0xe6: {  	[sflag:s15] =	ssyncadd.s32 $0xFFFFBF10  }
0xe7: {  	s23 =	sadd.s32 $0x2, s23  }
0xe8: {  	s24 =	sshrl.u32 s23, $0x2  }
0xe9: {  	s24 =	sadd.s32 s4, s24  }
0xea: {  	s23 =	sshll.u32 s23, $0x4;
	s24 =	smul.u32 $0x103C0, s24  }
0xeb: {  	s23 =	sand.u32 $0x20, s23  }
0xec: {  	s23 =	sor.u32 s23, s24  }
0xed: {  	s23 =	sshrl.u32 s23, $0x3  }
0xee: {  	s25 =	simm.s32 $0x8;
	s23 =	sadd.s32 s1, s23  }
0xef: {  	s26 =	simm.s32 $0x18;
	s24 =	simm.s32 $0x0;
	s28 =	sadd.s32 $0x0, s23  }
.LBB2_9:
0xf0: {  	[tilespmem:s24], [sflag:$0x1] =	stream.linear.gather [hbm4b:s28+s3], $0x10, $0x38;
	[tilespmem:$0x17610] =	vst v63  }
0xf1: {  	s28 =	smov.u32 s25;
	s24 =	smov.u32 s26;
	p1 =	sne.s32 s25, $0x2070  }
.Ltmp4:
0xf2: {  	s25 =	sadd.s32 $0x8, s25;
	(pc) =	sbr.rel @p1 .LBB2_9-.Ltmp4, $2  }
0xf3: {  	_ =	sdelay $0x2  }
0xf4: {  	s26 =	sadd.s32 $0x18, s26;
	s28 =	sadd.s32 s28, s23  }
0xf5: {  	[tilespmem:s24], [sflag:$0x1] =	stream.linear.gather [hbm4b:s28+s3], $0x10, $0x38;
	[tilespmem:$0x17610] =	vst v63  }
.LBB2_11:
0xf6: {  	s23 =	simm.s32 $0x0  }
0xf7: {  	s24 =	simm.s32 @!p0 $0x4;
	v1 =	vor.u32 s23, v0  }
0xf8: {  	_ =	swait.ge @!p0 [sflag:s24], $0x5600;
	v2 =	vmul.u32 $0x18, v1  }
0xf9: {  	[sflag:s24] =	ssyncset.done @!p0 $0x0  }
0xfa: {  	s23 =	simm.s32 $0x17200;
	[sflag:s24] =	ssyncadd.s32 @!p0 $0xFFFFAA00  }
0xfb: {  	v5 =	vld [tilespmem:s23+$0x0];
	_ =	sdelay $0x1  }
0xfc: {  	vm0 =	vlt.u32 v1, $0x403  }
0xfd: {  	v1 =	vld.idx.msk [tilespmem:v2+s16+$0x0], $0xffff  }
0xfe: {  	v3 =	vor.u32 $0x1, v2;
	_ =	sdelay $0x3  }
0xff: {  	[tilespmem:v5+s13+$0x0] =	vst.idx.msk vm0, v1  }
0x100: {  	v1 =	vld.idx.msk [tilespmem:v3+s16+$0x0], $0xffff;
	v3 =	vadd.s32 $0x560, v5  }
0x101: {  	v4 =	vor.u32 $0x2, v2;
	_ =	sdelay $0x3  }
0x102: {  	[tilespmem:v3+s13+$0x0] =	vst.idx.msk vm0, v1  }
0x103: {  	v3 =	vadd.s32 $0xAC0, v5;
	v1 =	vld.idx.msk [tilespmem:v4+s16+$0x0], $0xffff  }
0x104: {  	v4 =	vor.u32 $0x3, v2;
	_ =	sdelay $0x3  }
0x105: {  	[tilespmem:v3+s13+$0x0] =	vst.idx.msk vm0, v1  }
0x106: {  	v3 =	vadd.s32 $0x1020, v5;
	v1 =	vld.idx.msk [tilespmem:v4+s16+$0x0], $0xffff  }
0x107: {  	v4 =	vor.u32 $0x4, v2;
	_ =	sdelay $0x3  }
0x108: {  	[tilespmem:v3+s13+$0x0] =	vst.idx.msk vm0, v1  }
0x109: {  	v3 =	vadd.s32 $0x1580, v5;
	v1 =	vld.idx.msk [tilespmem:v4+s16+$0x0], $0xffff  }
0x10a: {  	v4 =	vor.u32 $0x5, v2;
	_ =	sdelay $0x3  }
0x10b: {  	[tilespmem:v3+s13+$0x0] =	vst.idx.msk vm0, v1  }
0x10c: {  	v3 =	vadd.s32 $0x1AE0, v5;
	v1 =	vld.idx.msk [tilespmem:v4+s16+$0x0], $0xffff  }
0x10d: {  	v4 =	vor.u32 $0x6, v2;
	_ =	sdelay $0x3  }
0x10e: {  	[tilespmem:v3+s13+$0x0] =	vst.idx.msk vm0, v1  }
0x10f: {  	v3 =	vadd.s32 $0x2040, v5;
	v1 =	vld.idx.msk [tilespmem:v4+s16+$0x0], $0xffff  }
0x110: {  	v4 =	vor.u32 $0x7, v2;
	_ =	sdelay $0x3  }
0x111: {  	[tilespmem:v3+s13+$0x0] =	vst.idx.msk vm0, v1  }
0x112: {  	v3 =	vadd.s32 $0x25A0, v5;
	v1 =	vld.idx.msk [tilespmem:v4+s16+$0x0], $0xffff  }
0x113: {  	v4 =	vadd.s32 $0x8, v2;
	_ =	sdelay $0x3  }
0x114: {  	[tilespmem:v3+s13+$0x0] =	vst.idx.msk vm0, v1  }
0x115: {  	v3 =	vadd.s32 $0x2B00, v5;
	v1 =	vld.idx.msk [tilespmem:v4+s16+$0x0], $0xffff  }
0x116: {  	v4 =	vadd.s32 $0x9, v2;
	_ =	sdelay $0x3  }
0x117: {  	[tilespmem:v3+s13+$0x0] =	vst.idx.msk vm0, v1  }
0x118: {  	v3 =	vadd.s32 $0x3060, v5;
	v1 =	vld.idx.msk [tilespmem:v4+s16+$0x0], $0xffff  }
0x119: {  	v4 =	vadd.s32 $0xA, v2;
	_ =	sdelay $0x3  }
0x11a: {  	[tilespmem:v3+s13+$0x0] =	vst.idx.msk vm0, v1  }
0x11b: {  	v3 =	vadd.s32 $0x35C0, v5;
	v1 =	vld.idx.msk [tilespmem:v4+s16+$0x0], $0xffff  }
0x11c: {  	v4 =	vadd.s32 $0xB, v2;
	_ =	sdelay $0x3  }
0x11d: {  	[tilespmem:v3+s13+$0x0] =	vst.idx.msk vm0, v1  }
0x11e: {  	v3 =	vadd.s32 $0x3B20, v5;
	v1 =	vld.idx.msk [tilespmem:v4+s16+$0x0], $0xffff  }
0x11f: {  	v4 =	vadd.s32 $0xC, v2;
	_ =	sdelay $0x3  }
0x120: {  	[tilespmem:v3+s13+$0x0] =	vst.idx.msk vm0, v1  }
0x121: {  	v3 =	vadd.s32 $0x4080, v5;
	v1 =	vld.idx.msk [tilespmem:v4+s16+$0x0], $0xffff  }
0x122: {  	v4 =	vadd.s32 $0xD, v2;
	_ =	sdelay $0x3  }
0x123: {  	[tilespmem:v3+s13+$0x0] =	vst.idx.msk vm0, v1  }
0x124: {  	v3 =	vadd.s32 $0x45E0, v5;
	v1 =	vld.idx.msk [tilespmem:v4+s16+$0x0], $0xffff  }
0x125: {  	v4 =	vadd.s32 $0xE, v2;
	_ =	sdelay $0x3  }
0x126: {  	[tilespmem:v3+s13+$0x0] =	vst.idx.msk vm0, v1  }
0x127: {  	v3 =	vadd.s32 $0x4B40, v5;
	v1 =	vld.idx.msk [tilespmem:v4+s16+$0x0], $0xffff  }
0x128: {  	v2 =	vadd.s32 $0xF, v2;
	_ =	sdelay $0x3  }
0x129: {  	[tilespmem:v3+s13+$0x0] =	vst.idx.msk vm0, v1  }
0x12a: {  	s31 =	simm.s32 $0x10;
	v4 =	vld.idx.msk [tilespmem:v2+s16+$0x0], $0xffff;
	v2 =	vadd.s32 $0x50A0, v5  }
0x12b: {  	v3 =	vor.u32 s31, v0  }
0x12c: {  	s24 =	simm.s32 $0x20;
	v1 =	vmul.u32 $0x18, v3  }
.LBB2_12:
0x12d: {  	_ = 	snop  }
0x12e: {  	p0 =	sne.s32 s24, $0x400  }
0x12f: {  	s23 =	sadd.s32 $0x10, s23;
	s25 =	smov.u32 s24;
	s24 =	sadd.s32 $0x10, s24;
	[tilespmem:v2+s13+$0x0] =	vst.idx.msk vm0, v4  }
0x130: {  	v2 =	vld [tilespmem:s23+$0x0];
	_ =	sdelay $0x1  }
0x131: {  	vm0 =	vlt.u32 v3, $0x403;
	v3 =	vld.idx.msk [tilespmem:v1+s16+$0x0], $0xffff;
	_ =	sdelay $0x1  }
0x132: {  	v4 =	vor.u32 $0x1, v1;
	_ =	sdelay $0x3  }
0x133: {  	[tilespmem:v2+s13+$0x0] =	vst.idx.msk vm0, v3  }
0x134: {  	v3 =	vld.idx.msk [tilespmem:v4+s16+$0x0], $0xffff  }
0x135: {  	v4 =	vadd.s32 $0x560, v2  }
0x136: {  	v5 =	vor.u32 $0x2, v1;
	_ =	sdelay $0x3  }
0x137: {  	[tilespmem:v4+s13+$0x0] =	vst.idx.msk vm0, v3  }
0x138: {  	v3 =	vld.idx.msk [tilespmem:v5+s16+$0x0], $0xffff  }
0x139: {  	v4 =	vadd.s32 $0xAC0, v2  }
0x13a: {  	v5 =	vor.u32 $0x3, v1;
	_ =	sdelay $0x3  }
0x13b: {  	[tilespmem:v4+s13+$0x0] =	vst.idx.msk vm0, v3  }
0x13c: {  	v3 =	vld.idx.msk [tilespmem:v5+s16+$0x0], $0xffff  }
0x13d: {  	v4 =	vadd.s32 $0x1020, v2  }
0x13e: {  	v5 =	vor.u32 $0x4, v1;
	_ =	sdelay $0x3  }
0x13f: {  	[tilespmem:v4+s13+$0x0] =	vst.idx.msk vm0, v3  }
0x140: {  	v3 =	vld.idx.msk [tilespmem:v5+s16+$0x0], $0xffff  }
0x141: {  	v4 =	vadd.s32 $0x1580, v2  }
0x142: {  	v5 =	vor.u32 $0x5, v1;
	_ =	sdelay $0x3  }
0x143: {  	[tilespmem:v4+s13+$0x0] =	vst.idx.msk vm0, v3  }
0x144: {  	v3 =	vld.idx.msk [tilespmem:v5+s16+$0x0], $0xffff  }
0x145: {  	v4 =	vadd.s32 $0x1AE0, v2  }
0x146: {  	v5 =	vor.u32 $0x6, v1;
	_ =	sdelay $0x3  }
0x147: {  	[tilespmem:v4+s13+$0x0] =	vst.idx.msk vm0, v3  }
0x148: {  	v3 =	vld.idx.msk [tilespmem:v5+s16+$0x0], $0xffff  }
0x149: {  	v4 =	vadd.s32 $0x2040, v2  }
0x14a: {  	v5 =	vor.u32 $0x7, v1;
	_ =	sdelay $0x3  }
0x14b: {  	[tilespmem:v4+s13+$0x0] =	vst.idx.msk vm0, v3  }
0x14c: {  	v3 =	vld.idx.msk [tilespmem:v5+s16+$0x0], $0xffff  }
0x14d: {  	v4 =	vadd.s32 $0x25A0, v2  }
0x14e: {  	v5 =	vadd.s32 $0x8, v1;
	_ =	sdelay $0x3  }
0x14f: {  	[tilespmem:v4+s13+$0x0] =	vst.idx.msk vm0, v3  }
0x150: {  	v3 =	vld.idx.msk [tilespmem:v5+s16+$0x0], $0xffff  }
0x151: {  	v4 =	vadd.s32 $0x2B00, v2  }
0x152: {  	v5 =	vadd.s32 $0x9, v1;
	_ =	sdelay $0x3  }
0x153: {  	[tilespmem:v4+s13+$0x0] =	vst.idx.msk vm0, v3  }
0x154: {  	v3 =	vld.idx.msk [tilespmem:v5+s16+$0x0], $0xffff  }
0x155: {  	v4 =	vadd.s32 $0x3060, v2  }
0x156: {  	v5 =	vadd.s32 $0xA, v1;
	_ =	sdelay $0x3  }
0x157: {  	[tilespmem:v4+s13+$0x0] =	vst.idx.msk vm0, v3  }
0x158: {  	v3 =	vld.idx.msk [tilespmem:v5+s16+$0x0], $0xffff  }
0x159: {  	v4 =	vadd.s32 $0x35C0, v2  }
0x15a: {  	v5 =	vadd.s32 $0xB, v1;
	_ =	sdelay $0x3  }
0x15b: {  	[tilespmem:v4+s13+$0x0] =	vst.idx.msk vm0, v3  }
0x15c: {  	v3 =	vld.idx.msk [tilespmem:v5+s16+$0x0], $0xffff  }
0x15d: {  	v4 =	vadd.s32 $0x3B20, v2  }
0x15e: {  	v5 =	vadd.s32 $0xC, v1;
	_ =	sdelay $0x3  }
0x15f: {  	[tilespmem:v4+s13+$0x0] =	vst.idx.msk vm0, v3  }
0x160: {  	v3 =	vld.idx.msk [tilespmem:v5+s16+$0x0], $0xffff  }
0x161: {  	v4 =	vadd.s32 $0x4080, v2  }
0x162: {  	v5 =	vadd.s32 $0xD, v1;
	_ =	sdelay $0x3  }
0x163: {  	[tilespmem:v4+s13+$0x0] =	vst.idx.msk vm0, v3  }
0x164: {  	v3 =	vld.idx.msk [tilespmem:v5+s16+$0x0], $0xffff  }
0x165: {  	v4 =	vadd.s32 $0x45E0, v2  }
0x166: {  	v5 =	vadd.s32 $0xE, v1;
	_ =	sdelay $0x3  }
0x167: {  	[tilespmem:v4+s13+$0x0] =	vst.idx.msk vm0, v3  }
0x168: {  	v3 =	vld.idx.msk [tilespmem:v5+s16+$0x0], $0xffff  }
0x169: {  	v4 =	vadd.s32 $0x4B40, v2  }
0x16a: {  	v1 =	vadd.s32 $0xF, v1;
	_ =	sdelay $0x3  }
.Ltmp5:
0x16b: {  	[tilespmem:v4+s13+$0x0] =	vst.idx.msk vm0, v3;
	(pc) =	sbr.rel @p0 .LBB2_12-.Ltmp5, $4  }
0x16c: {  	v4 =	vld.idx.msk [tilespmem:v1+s16+$0x0], $0xffff  }
0x16d: {  	v2 =	vadd.s32 $0x50A0, v2  }
0x16e: {  	v3 =	vor.u32 s25, v0  }
0x16f: {  	v1 =	vmul.u32 $0x18, v3  }
0x170: {  	_ =	sdelay $0x4  }
0x171: {  	s23 =	sadd.s32 $0x10, s23;
	[tilespmem:v2+s13+$0x0] =	vst.idx.msk vm0, v4  }
0x172: {  	v2 =	vld [tilespmem:s23+$0x0];
	_ =	sdelay $0x1  }
0x173: {  	vm15 =	vlt.u32 v3, $0x403  }
0x174: {  	v3 =	vld.idx.msk [tilespmem:v1+s16+$0x0], $0xffff  }
0x175: {  	v37 =	vor.u32 $0x1, v1;
	_ =	sdelay $0x3  }
0x176: {  	[tilespmem:v2+s13+$0x0] =	vst.idx.msk vm15, v3  }
0x177: {  	v38 =	vadd.s32 $0x560, v2;
	v3 =	vld.idx.msk [tilespmem:v37+s16+$0x0], $0xffff  }
0x178: {  	v5 =	vor.u32 $0x2, v1;
	_ =	sdelay $0x3  }
0x179: {  	[tilespmem:v38+s13+$0x0] =	vst.idx.msk vm15, v3  }
0x17a: {  	v39 =	vadd.s32 $0xAC0, v2;
	v3 =	vld.idx.msk [tilespmem:v5+s16+$0x0], $0xffff  }
0x17b: {  	v40 =	vor.u32 $0x3, v1;
	_ =	sdelay $0x3  }
0x17c: {  	[tilespmem:v39+s13+$0x0] =	vst.idx.msk vm15, v3  }
0x17d: {  	v41 =	vadd.s32 $0x1020, v2;
	v3 =	vld.idx.msk [tilespmem:v40+s16+$0x0], $0xffff  }
0x17e: {  	v42 =	vor.u32 $0x4, v1;
	_ =	sdelay $0x3  }
0x17f: {  	[tilespmem:v41+s13+$0x0] =	vst.idx.msk vm15, v3  }
0x180: {  	v43 =	vadd.s32 $0x1580, v2;
	v3 =	vld.idx.msk [tilespmem:v42+s16+$0x0], $0xffff  }
0x181: {  	v44 =	vor.u32 $0x5, v1;
	_ =	sdelay $0x3  }
0x182: {  	[tilespmem:v43+s13+$0x0] =	vst.idx.msk vm15, v3  }
0x183: {  	v45 =	vadd.s32 $0x1AE0, v2;
	v3 =	vld.idx.msk [tilespmem:v44+s16+$0x0], $0xffff  }
0x184: {  	v46 =	vor.u32 $0x6, v1;
	_ =	sdelay $0x3  }
0x185: {  	[tilespmem:v45+s13+$0x0] =	vst.idx.msk vm15, v3  }
0x186: {  	v47 =	vadd.s32 $0x2040, v2;
	v3 =	vld.idx.msk [tilespmem:v46+s16+$0x0], $0xffff  }
0x187: {  	v48 =	vor.u32 $0x7, v1;
	_ =	sdelay $0x3  }
0x188: {  	[tilespmem:v47+s13+$0x0] =	vst.idx.msk vm15, v3  }
0x189: {  	v49 =	vadd.s32 $0x25A0, v2;
	v3 =	vld.idx.msk [tilespmem:v48+s16+$0x0], $0xffff  }
0x18a: {  	v50 =	vadd.s32 $0x8, v1;
	_ =	sdelay $0x3  }
0x18b: {  	[tilespmem:v49+s13+$0x0] =	vst.idx.msk vm15, v3  }
0x18c: {  	v51 =	vadd.s32 $0x2B00, v2;
	v3 =	vld.idx.msk [tilespmem:v50+s16+$0x0], $0xffff  }
0x18d: {  	v52 =	vadd.s32 $0x9, v1;
	_ =	sdelay $0x3  }
0x18e: {  	[tilespmem:v51+s13+$0x0] =	vst.idx.msk vm15, v3  }
0x18f: {  	v53 =	vadd.s32 $0x3060, v2;
	v3 =	vld.idx.msk [tilespmem:v52+s16+$0x0], $0xffff  }
0x190: {  	v54 =	vadd.s32 $0xA, v1;
	_ =	sdelay $0x3  }
0x191: {  	[tilespmem:v53+s13+$0x0] =	vst.idx.msk vm15, v3  }
0x192: {  	v55 =	vadd.s32 $0x35C0, v2;
	v3 =	vld.idx.msk [tilespmem:v54+s16+$0x0], $0xffff  }
0x193: {  	v56 =	vadd.s32 $0xB, v1;
	_ =	sdelay $0x3  }
0x194: {  	[tilespmem:v55+s13+$0x0] =	vst.idx.msk vm15, v3  }
0x195: {  	v57 =	vadd.s32 $0x3B20, v2;
	v3 =	vld.idx.msk [tilespmem:v56+s16+$0x0], $0xffff  }
0x196: {  	v58 =	vadd.s32 $0xC, v1;
	_ =	sdelay $0x3  }
0x197: {  	[tilespmem:v57+s13+$0x0] =	vst.idx.msk vm15, v3  }
0x198: {  	v59 =	vadd.s32 $0x4080, v2;
	v3 =	vld.idx.msk [tilespmem:v58+s16+$0x0], $0xffff  }
0x199: {  	v60 =	vadd.s32 $0xD, v1;
	_ =	sdelay $0x3  }
0x19a: {  	[tilespmem:v59+s13+$0x0] =	vst.idx.msk vm15, v3  }
0x19b: {  	v61 =	vadd.s32 $0x45E0, v2;
	v3 =	vld.idx.msk [tilespmem:v60+s16+$0x0], $0xffff  }
0x19c: {  	v62 =	vadd.s32 $0xE, v1;
	_ =	sdelay $0x3  }
0x19d: {  	[tilespmem:v61+s13+$0x0] =	vst.idx.msk vm15, v3  }
0x19e: {  	v63 =	vadd.s32 $0x4B40, v2;
	v3 =	vld.idx.msk [tilespmem:v62+s16+$0x0], $0xffff  }
0x19f: {  	v1 =	vadd.s32 $0xF, v1;
	_ =	sdelay $0x3  }
0x1a0: {  	s22 =	sshll.u32 s22, $0x4;
	[tilespmem:v63+s13+$0x0] =	vst.idx.msk vm15, v3  }
0x1a1: {  	s20 =	sadd.s32 $0x1, s20;
	s22 =	sand.u32 $0x30, s22;
	v2 =	vadd.s32 $0x50A0, v2;
	v1 =	vld.idx.msk [tilespmem:v1+s16+$0x0], $0xffff  }
0x1a2: {  	p0 =	sne.s32 s20, $0x20;
	s22 =	smul.u32 $0x560, s22  }
.Ltmp6:
0x1a3: {  	_ = 	snop;
	(pc) =	sbr.rel @p0 .LBB2_3-.Ltmp6, $4  }
0x1a4: {  	s21 =	sadd.s32 s21, s22  }
0x1a5: {  	s21 =	sshrl.u32 s21, $0x3  }
0x1a6: {  	s21 =	sadd.s32 s7, s21;
	[tilespmem:v2+s13+$0x0] =	vst.idx.msk vm15, v1  }
0x1a7: {  	[hbm4b:s21+s3] =	stream.linear.scatter [tilespmem:s13], [sflag:$0x4], $0x5600, $0x38;
	[tilespmem:$0x17610] =	vst v63  }
0x1a8: {  	s19 =	sadd.s32 $0x1, s19  }
0x1a9: {  	_ =	swait.ge [sflag:s17], $0x5600;
	p0 =	sne.s32 s19, s9  }
.Ltmp7:
0x1aa: {  	[sflag:s17] =	ssyncset.done $0x0;
	(pc) =	sbr.rel @p0 .LBB2_1-.Ltmp7, $4  }
0x1ab: {  	[sflag:s17] =	ssyncadd.s32 $0xFFFFAA00  }
0x1ac: {  	_ =	swait.ge [sflag:s18], $0x5600  }
0x1ad: {  	[sflag:s18] =	ssyncset.done $0x0  }
0x1ae: {  	[sflag:s18] =	ssyncadd.s32 $0xFFFFAA00  }
0x1af: {  	_ =	sfence.sel $0x180000  }
0x1b0: {  	[bflag:$0x0] =	sbarrier.arrive $0xFFFF  }
0x1b1: {  	p0 =	sne.s32 s2, $0x0;
	_ =	strace $0x90000047  }
0x1b2: {  	s0 =	sadd.s32 @!p0 $0x100000, s0;
	[bflag:$0x2] =	sbarrier.arrive $0xFFFF  }
0x1b3: {  	[sflag:s0] =	ssyncadd.tile.s32 @!p0 $0x1;
	_ =	shalt  }
.Lfunc_end2:
_tile_overlayer_lowered:
.L_overlay_start_2:
0x1b4: {  	(tag) =	ssettag $0x2  }
0x1b5: {  	s0 =	rddreg [dreg:$0x0];
	s2 =	stileid.u32  }
0x1b6: {  	s1 =	rddreg [dreg:$0x1];
	p0 =	sne.s32 s2, $0x0  }
0x1b7: {  	s3 =	rddreg [dreg:$0x2];
	[bflag:$0x3] =	sbarrier.arrive $0xFFFF;
	s2 =	simm.s32 @!p0 $0x1C05  }
0x1b8: {  	[timem:s3], [sflag:s2] =	dma.local @!p0 [hbm:s0], s1  }
0x1b9: {  	s0 =	simm.s32 @!p0 $0x5  }
0x1ba: {  	_ =	swait.ge @!p0 [sflag:s0], s1  }
0x1bb: {  	s1 =	ssub.s32 @!p0 $0x0, s1;
	[sflag:s0] =	ssyncset.done @!p0 $0x0  }
0x1bc: {  	[sflag:s0] =	ssyncadd.s32 @!p0 s1  }
0x1bd: {  	[bflag:$0x3] =	sbarrier.arrive $0xFFFF  }
0x1be: {  	_ =	shalt  }

// kernel: sparse-core-data-format-call.cloned.1.call-start
scs
called_computation_lowered:
.L_overlay_start_0:
0x0: {  	s2 =	sld [smem:$0x3FD9]  }
0x1: {  	s3 =	sld [smem:$0x3FFE];
	_ =	sdelay $0x1  }
0x2: {  	s1 =	srdreg.scid  }
0x3: {  	s0 =	sand.u32 $0x1, s1  }
0x4: {  	s18 =	sshll.u32 s0, $0xA;
	s2 =	sadd.s32 s3, s2  }
0x5: {  	s2 =	sadd.s32 s2, s18  }
0x6: {  	[smem:$0x3FC7] =	sst s2  }
0x7: {  	_ = 	snop  }
0x8: {  	s2 =	sld [smem:$0x3FD0];
	(tm) =	ssettm $0x1  }
0x9: {  	s19 =	sld [smem:$0x3FFB];
	_ =	sdelay $0x3  }
0xa: {  	_ =	strace s19  }
0xb: {  	s3 =	sld [smem:$0x3FFC];
	_ =	sdelay $0x3  }
0xc: {  	_ =	strace s3  }
0xd: {  	s3 =	sld [smem:$0x3FFD];
	_ =	sdelay $0x3  }
0xe: {  	_ =	strace s3  }
0xf: {  	_ =	strace $0x8FFFFFFF  }
0x10: {  	s20 =	sld [smem:$0x3FDB];
	_ =	sdelay $0x1  }
0x11: {  	s4 =	simm.s32 $_scs_section_size  }
0x12: {  	s5 =	simm.s32 $_size__tile_overlayer_lowered;
	s6 =	simm.s32 $_tile_overlayer_lowered  }
0x13: {  	s23 =	simm.s32 $0x1BFF;
	s22 =	sshll.u32 s6, $0x1;
	s3 =	sadd.s32 s4, s20  }
0x14: {  	s7 =	simm.s32 $0x0;
	s21 =	sshll.u32 s5, $0x1;
	s5 =	sadd.s32 s22, s3  }
0x15: {  	[timem:s7], [sflag:s23] =	dma.local [hbm:s5], s21  }
0x16: {  	_ =	swait.ge [sflag:s23], s21  }
0x17: {  	s4 =	ssub.s32 $0x0, s21;
	[sflag:s23] =	ssyncset.done $0x0  }
0x18: {  	[sflag:s23] =	ssyncadd.s32 s4;
	_ =	sdelay $0x1  }
0x19: {  	s24 =	simm.s32 $0x1B8B  }
0x1a: {  	_ =	swait.ge [sflag:s24], $0x1  }
0x1b: {  	[sflag:s24] =	ssyncset.done $0x0  }
0x1c: {  	s26 =	simm.s32 $0x1B8E;
	s25 =	sld [smem:$0x3FFE];
	[sflag:s24] =	ssyncadd.s32 $0xFFFFFFFF  }
0x1d: {  	s27 =	simm.s32 $execute0_lowered;
	[smem:$0x3FD2] =	sst s26  }
0x1e: {  	s5 =	sshll.u32 s27, $0x1;
	_ =	strace $0x80000049;
	[dreg:$0x1] =	wrdreg $0xFFFFFFFF  }
0x1f: {  	s28 =	simm.s32 $_size_execute0_lowered;
	s3 =	sadd.s32 s3, s5;
	[dreg:$0x0] =	wrdreg $0x0  }
0x20: {  	s5 =	sshll.u32 s28, $0x1;
	[dreg:$0x2] =	wrdreg s3  }
0x21: {  	[dreg:$0x3] =	wrdreg s5  }
0x22: {  	[dreg:$0x4] =	wrdreg $0xC0  }
0x23: {  	_ =	task [dreg:s7], $0x5FFFF  }
0x24: {  	[dreg:$0x1] =	wrdreg $0xFFFFFFFF  }
0x25: {  	[dreg:$0x0] =	wrdreg $0x60  }
0x26: {  	[dreg:$0x2] =	wrdreg s25  }
0x27: {  	[dreg:$0x3] =	wrdreg s2  }
0x28: {  	[dreg:$0x4] =	wrdreg $0x9  }
0x29: {  	_ =	task.clear_ibuf [dreg:s7], $0x5FFFF;
	_ =	strace $0x90000049  }
0x2a: {  	s29 =	simm.s32 $0x9;
	_ =	strace $0x8000004B  }
0x2b: {  	_ =	swait.ge [sflag:s29], $0x1  }
0x2c: {  	[sflag:s29] =	ssyncadd.s32 $0xFFFFFFFF  }
0x2d: {  	_ =	strace $0x9000004B  }
0x2e: {  	_ =	sfence  }
0x2f: {  	s30 =	sld [smem:$0x0];
	_ =	sdelay $0x2  }
0x30: {  	s31 =	sshll.u32 s1, $0xD;
	s1 =	sshrl.u32 s1, $0x2  }
0x31: {  	s3 =	sand.u32 $0x4000, s31;
	s1 =	sadd.s32 s1, s30  }
0x32: {  	s0 =	sor.u32 s3, s0;
	s1 =	sshll.u32 s1, $0x11  }
0x33: {  	s0 =	sor.u32 s1, s0  }
0x34: {  	s0 =	sadd.s32 $0x8F2B, s0  }
0x35: {  	[sflag:s0] =	ssyncadd.remote.s32 $0x1  }
0x36: {  	_ =	sfence.sel $0xFFFF  }
0x37: {  	[dreg:$0x0] =	wrdreg $0xFFFFFFFF;
	(pc) =	sbr.abs _section_cstart, $3  }
0x38: {  	[dreg:$0x1] =	wrdreg $0xFFFFFFFF  }
0x39: {  	_ =	task.clear_ibuf [dreg:s7], $0x2FFFF;
	_ =	strace $0x9FFFFFFF  }
0x3a: {  	(tm) =	ssettm $0x7FFFFFFF  }
0x3b: {  	_ =	shalt  }
tec
execute0_lowered:
.L_overlay_start_1:
0x0: {  	(tag) =	ssettag $0x1  }
0x1: {  	s4 =	rddreg [dreg:$0x0]  }
0x2: {  	s0 =	stileid.u32;
	s2 =	rddreg [dreg:$0x1]  }
0x3: {  	s7 =	srdreg.scid;
	s8 =	simm.s32 $0x2;
	s17 =	simm.s32 $0x0  }
0x4: {  	s9 =	simm.s32 $0x8000;
	s19 =	simm.s32 $0x0;
	s18 =	simm.s32 $0x0  }
0x5: {  	s10 =	simm.s32 $0x0;
	s11 =	simm.s32 $0x0;
	s1 =	sshll.u32 s0, $0x7  }
0x6: {  	s12 =	simm.s32 $0x0;
	s13 =	simm.s32 $0x0;
	s3 =	sand.u32 $0x180, s1  }
0x7: {  	s16 =	simm.s32 $0x0;
	s7 =	sshll.u32 s7, $0x4;
	s5 =	ssub.s32 $0x200, s3  }
0x8: {  	s4 =	sadd.s32 $0x561800, s4;
	s1 =	rddreg [dreg:$0x2];
	s6 =	sand.u32 $0x180, s5  }
0x9: {  	s7 =	sand.u32 $0x10, s7;
	p0 =	sne.s32 s6, $0x0;
	s6 =	simm.s32 $0x1  }
.Ltmp0:
0xa: {  	s5 =	sshrl.u32 s5, $0x9;
	s6 =	simm.s32 @!p0 $0x0;
	(pc) =	sbr.rel .LBB1_1-.Ltmp0, $4  }
0xb: {  	_ =	strace $0x8000004A;
	s7 =	sor.u32 s0, s7;
	s6 =	sadd.s32 s6, s5  }
0xc: {  	s7 =	sshrl.u32 s7, $0x2;
	s5 =	simm.s32 $0x1;
	s6 =	smul.u32 $0x58, s6  }
0xd: {  	s15 =	smov.u32 s3;
	s14 =	smov.u32 s7;
	[sflag:s5] =	ssyncpa.u1 $0x0  }
0xe: {  	p0 =	por $0x0, $0x0;
	[sflag:s8] =	ssyncpa.u1 $0x0;
	s8 =	sor.u32 $0x1, s6  }
.LBB1_4:
0xf: {  	s24 =	sshra.s32 s24, $0x2;
	s25 =	sshll.u32 s11, $0x9  }
0x10: {  	s29 =	sshll.u32 s12, $0x3;
	p1 =	sgt.s32 s10, $0x4D9;
	s26 =	smov.u32 s10  }
0x11: {  	p2 =	sgt.s32 s11, $0x3F;
	s27 =	smov.u32 s11;
	s30 =	sshra.s32 s11, $0x1F  }
0x12: {  	s23 =	sadd.s32 s24, s23;
	s28 =	sand.u32 $0x7000, s25;
	s25 =	sand.u32 $0x7C00, s29  }
0x13: {  	s26 =	simm.s32 @!p1 $0x4D9;
	s27 =	simm.s32 @!p2 $0x3F;
	p1 =	sgt.s32 s12, $0x180  }
0x14: {  	s29 =	sshra.s32 s12, $0x1F;
	s24 =	sadd.s32 s25, s28;
	s28 =	smov.u32 s12  }
0x15: {  	s25 =	sand.u32 s30, s11;
	s29 =	sand.u32 s29, s12;
	s28 =	simm.s32 @!p1 $0x180  }
0x16: {  	v5 =	vld [tilespmem:s21+$0xFFFFFFD0];
	[tilespmem:s22+$0x2040 ss:$0x81] =	vst.msk $0xffff, v4;
	s30 =	sshra.s32 s10, $0x1F;
	s25 =	ssub.s32 s27, s25;
	s27 =	ssub.s32 s28, s29  }
0x17: {  	v58 =	vld [tilespmem:s21+$0xFFFFFFE0];
	[tilespmem:s22+$0x2850 ss:$0x81] =	vst.msk $0xffff, v3;
	s28 =	sand.u32 s30, s10;
	s29 =	sadd.s32 $0xFFFFFFC1, s25;
	s25 =	ssub.s32 $0x40, s25  }
0x18: {  	v59 =	vld [tilespmem:s21+$0xFFFFFFF0];
	[tilespmem:s22+$0x3060 ss:$0x81] =	vst.msk $0xffff, v2;
	s31 =	sadd.s32 $0xFFFFFE80, s27;
	s26 =	ssub.s32 s26, s28;
	p1 =	sgt.s32 s29, $0x0  }
0x19: {  	v60 =	vld [tilespmem:s21+$0x0];
	[tilespmem:s22+$0x0 ss:$0x81] =	vst.msk $0xffff, v1;
	s27 =	ssub.s32 $0x200, s27;
	s28 =	sand.u32 $0x78, s12;
	s29 =	sshll.u32 s11, $0x7  }
0x1a: {  	v61 =	vld [tilespmem:s21+$0x10];
	[tilespmem:s23+$0x3870 ss:$0x81] =	vst.msk $0xffff, v0;
	p2 =	sgt.s32 s31, $0x7F;
	s31 =	sadd.s32 $0xFFFFFB27, s26;
	s25 =	simm.s32 @p1 $0x0  }
0x1b: {  	v62 =	vld [tilespmem:s21+$0x20];
	[tilespmem:s23+$0x810 ss:$0x81] =	vst.msk $0xffff, v5;
	s30 =	sand.u32 $0x200, s29;
	s26 =	ssub.s32 $0x559, s26;
	s27 =	simm.s32 @p2 $0x0  }
0x1c: {  	v63 =	vld [tilespmem:s21+$0xFFFFFFC0];
	[tilespmem:s23+$0x1020 ss:$0x81] =	vst.msk $0xffff, v58;
	p1 =	sgt.s32 s31, $0x7F;
	s21 =	sor.u32 s30, s24;
	s25 =	smul.u32 s27, s25  }
0x1d: {  	[tilespmem:s23+$0x1830 ss:$0x81] =	vst.msk $0xffff, v59;
	s27 =	sand.u32 $0x180, s29;
	s26 =	simm.s32 @p1 $0x0;
	s21 =	sshrl.u32 s21, $0x3  }
0x1e: {  	[tilespmem:s23+$0x2040 ss:$0x81] =	vst.msk $0xffff, v60;
	s22 =	sor.u32 s28, s27;
	s27 =	sshll.u32 s10, $0xC;
	s28 =	sand.u32 $0x7, s12  }
0x1f: {  	[tilespmem:s23+$0x2850 ss:$0x81] =	vst.msk $0xffff, v61;
	s31 =	smul.u32 s26, s25;
	s22 =	sshrl.u32 s22, $0x3;
	s25 =	sadd.s32 s2, s27  }
0x20: {  	[tilespmem:s23+$0x3060 ss:$0x81] =	vst.msk $0xffff, v62;
	s21 =	sand.u32 $0xFC0, s21;
	s29 =	sshll.u32 s28, $0x12;
	s22 =	sadd.s32 s22, s25  }
0x21: {  	[tilespmem:s23+$0x0 ss:$0x81] =	vst.msk $0xffff, v63;
	s30 =	sand.u32 $0x3FFFFFFF, s31;
	s21 =	sadd.s32 s21, s22;
	s31 =	sor.u32 $0x80, s29  }
0x22: {  	[hbm4b:s21+s31] =	stream.strided.scatter [tilespmem:s20], [sflag:$0x2], s30, s9, s31, $0x20;
	[tilespmem:$0x10100] =	vst v63  }
.LBB1_5:
0x23: {  	p1 =	slt.u32 s16, $0x2;
	s21 =	smov.u32 s19  }
0x24: {  	p2 =	sgt.s32 @!p1 s17, $0x4D9;
	s20 =	sshra.s32 @!p1 s17, $0x1F;
	p3 =	sgt.s32 @!p1 s19, $0x3F  }
0x25: {  	s22 =	sshra.s32 @!p1 s19, $0x1F;
	p2 =	por !p2, p1;
	s20 =	sand.u32 @!p1 s20, s17  }
0x26: {  	p3 =	por !p3, p1;
	s19 =	sand.u32 @!p1 s22, s19;
	s22 =	sshra.s32 @!p1 s18, $0x1F  }
0x27: {  	s21 =	simm.s32 @p3 $0x3F;
	p3 =	sgt.s32 @!p1 s18, $0x180;
	s17 =	simm.s32 @p2 $0x4D9  }
0x28: {  	s19 =	ssub.s32 @!p1 s21, s19;
	p3 =	por !p3, p1;
	s21 =	smov.u32 s18  }
0x29: {  	s18 =	sand.u32 @!p1 s22, s18;
	s17 =	ssub.s32 @!p1 s17, s20;
	s21 =	simm.s32 @p3 $0x180  }
0x2a: {  	s20 =	sadd.s32 @!p1 $0xFFFFFFC1, s19;
	s19 =	ssub.s32 @!p1 $0x40, s19;
	s18 =	ssub.s32 @!p1 s21, s18  }
0x2b: {  	s21 =	sadd.s32 @!p1 $0xFFFFFB27, s17;
	p2 =	sgt.s32 @!p1 s20, $0x0;
	s20 =	sadd.s32 @!p1 $0xFFFFFE80, s18  }
0x2c: {  	s17 =	ssub.s32 @!p1 $0x559, s17;
	p2 =	por !p2, p1;
	p3 =	sgt.s32 @!p1 s20, $0x7F  }
0x2d: {  	s18 =	ssub.s32 @!p1 $0x200, s18;
	s19 =	simm.s32 @!p2 $0x0;
	p2 =	por !p3, p1  }
0x2e: {  	s20 =	sadd.s32 $0x80, s13;
	p3 =	sgt.s32 @!p1 s21, $0x7F;
	s18 =	simm.s32 @!p2 $0x0  }
0x2f: {  	s21 =	smov.u32 s14;
	p2 =	por !p3, p1;
	s18 =	smul.u32 @!p1 s18, s19  }
0x30: {  	s17 =	simm.s32 @!p2 $0x0;
	p2 =	sgt.s32 s20, $0x558;
	s19 =	sadd.s32 $0x8, s14  }
0x31: {  	s22 =	smov.u32 s15;
	s21 =	smov.u32 @p2 s19  }
0x32: {  	s17 =	smul.u32 @!p1 s17, s18;
	p3 =	sgt.s32 s21, $0x3F;
	s18 =	sadd.s32 $0x200, s15  }
0x33: {  	p0 =	por !p0, !p0;
	s23 =	simm.s32 @!p1 $0x2;
	s22 =	smov.u32 @p3 s18  }
0x34: {  	s20 =	simm.s32 @p2 $0x0;
	s19 =	smov.u32 s11;
	p2 =	sgt.s32 s22, $0x1FF  }
0x35: {  	s11 =	smov.u32 s14;
	s22 =	smov.u32 @p2 s3;
	p2 =	sne.s32 s16, s8  }
.Ltmp1:
0x36: {  	s21 =	smov.u32 @p3 s7;
	s18 =	smov.u32 s12;
	(pc) =	sbr.rel @!p2 .LBB1_6-.Ltmp1, $4  }
0x37: {  	s12 =	smov.u32 s15;
	s17 =	sand.u32 @!p1 $0x3FFFFFFF, s17;
	s14 =	smov.u32 s21  }
0x38: {  	_ =	swait.ge @!p1 [sflag:s23], s17;
	s24 =	ssub.s32 @!p1 $0x0, s17;
	s17 =	smov.u32 s10  }
0x39: {  	s16 =	sadd.s32 $0x1, s16;
	s10 =	smov.u32 s13;
	[sflag:s23] =	ssyncset.done @!p1 $0x0  }
0x3a: {  	s13 =	smov.u32 s20;
	s15 =	smov.u32 s22;
	[sflag:s23] =	ssyncadd.s32 @!p1 s24  }
.LBB1_1:
0x3b: {  	p1 =	sge.u32 s16, s6  }
0x3c: {  	s20 =	sshrl.u32 @!p1 s14, $0x3  }
0x3d: {  	s21 =	sshll.u32 @!p1 s13, $0x3;
	s20 =	smul.u32 @!p1 $0x2C00, s20  }
0x3e: {  	s22 =	sshll.u32 @!p1 s14, $0x7;
	s21 =	sand.u32 @!p1 $0xFFFFFC00, s21  }
0x3f: {  	s20 =	sadd.s32 @!p1 s20, s21;
	s21 =	sand.u32 @!p1 $0x380, s22  }
0x40: {  	s22 =	sand.u32 @!p1 $0x7F, s13;
	s20 =	sor.u32 @!p1 s21, s20  }
0x41: {  	s21 =	sor.u32 @!p1 s22, s20  }
0x42: {  	s22 =	smulhi.u32 @!p1 $0xBA2E8BA3, s21  }
0x43: {  	s20 =	smulhi.u32 @!p1 $0xBA2E8BA3, s20  }
0x44: {  	s22 =	sshrl.u32 @!p1 s22, $0xA  }
0x45: {  	s31 =	sadd.s32 $0xFFFFFFFF, s16;
	s20 =	sshrl.u32 @!p1 s20, $0xA;
	s22 =	smul.u32 @!p1 $0x580, s22  }
0x46: {  	s23 =	sxor.u32 @!p1 $0xFFFFFFFF, s16;
	s24 =	smul.u32 @!p1 $0x2C00, s15;
	s20 =	sand.u32 @!p1 $0x3F, s20  }
0x47: {  	s23 =	sshll.u32 @!p1 s23, $0xE;
	s20 =	smul.u32 @!p1 $0xB0, s20;
	s21 =	ssub.s32 @!p1 s21, s22  }
0x48: {  	s22 =	sand.u32 @!p1 $0x4000, s23;
	s23 =	sadd.s32 @!p1 s4, s24;
	s24 =	sand.u32 @!p1 $0x7, s21  }
0x49: {  	s21 =	sshrl.u32 @!p1 s21, $0x3;
	s20 =	sadd.s32 @!p1 s20, s23;
	s23 =	sshll.u32 @!p1 s24, $0x12  }
0x4a: {  	s20 =	sadd.s32 @!p1 s21, s20;
	s21 =	sor.u32 @!p1 $0x80, s23;
	s23 =	simm.s32 @!p1 $0x16000  }
0x4b: {  	[tilespmem:s22], [sflag:$0x1] =	stream.strided.gather @!p1 [hbm4b:s20+s21], $0x4000, s23, s21, $0x38;
	[tilespmem:$0x10100] =	vst v63  }
0x4c: {  	p1 =	sge.u32 s31, s6  }
.Ltmp2:
0x4d: {  	_ = 	snop;
	(pc) =	sbr.rel @p1 .LBB1_5-.Ltmp2, $1  }
0x4e: {  	_ =	sdelay $0x3  }
0x4f: {  	s20 =	simm.s32 $0x1  }
0x50: {  	_ =	swait.ge [sflag:s5], $0x4000;
	s20 =	simm.s32 @!p0 $0x0  }
0x51: {  	[sflag:s5] =	ssyncset.done $0x0;
	s21 =	sshll.u32 s20, $0xE  }
0x52: {  	[sflag:s5] =	ssyncadd.s32 $0xFFFFC000;
	s21 =	sor.u32 $0x40, s21  }
0x53: {  	s20 =	smul.u32 $0x10200, s20;
	v0 =	vld [tilespmem:s21+$0x30]  }
0x54: {  	v1 =	vld [tilespmem:s21+$0xFFFFFFD0]  }
0x55: {  	s20 =	sshrl.u32 s20, $0x2;
	v5 =	vld [tilespmem:s21+$0xFFFFFFE0]  }
0x56: {  	v6 =	vld [tilespmem:s21+$0xFFFFFFF0];
	s23 =	sor.u32 $0x8000, s20  }
0x57: {  	s31 =	sand.u32 $0x1, s16;
	v4 =	vld [tilespmem:s21+$0x0];
	s22 =	sadd.s32 $0x0, s23  }
0x58: {  	v3 =	vld [tilespmem:s21+$0x10];
	s20 =	smul.u32 $0x10200, s31;
	[tilespmem:s22+$0x3870 ss:$0x81] =	vst.msk $0xffff, v0  }
0x59: {  	v2 =	vld [tilespmem:s21+$0x20];
	[tilespmem:s22+$0x810 ss:$0x81] =	vst.msk $0xffff, v1  }
0x5a: {  	s20 =	sshrl.u32 s20, $0x2;
	v1 =	vld [tilespmem:s21+$0xFFFFFFC0];
	[tilespmem:s22+$0x1020 ss:$0x81] =	vst.msk $0xffff, v5;
	s21 =	sadd.s32 $0x80, s21  }
0x5b: {  	s24 =	simm.s32 $0x4;
	s25 =	simm.s32 $0x8;
	s20 =	sor.u32 $0x8000, s20;
	[tilespmem:s22+$0x1830 ss:$0x81] =	vst.msk $0xffff, v6;
	v0 =	vld [tilespmem:s21+$0x30]  }
.LBB1_3:
0x5c: {  	p1 =	sne.s32 s25, $0x1FC;
	v5 =	vld [tilespmem:s21+$0xFFFFFFD0];
	[tilespmem:s22+$0x2040 ss:$0x81] =	vst.msk $0xffff, v4  }
0x5d: {  	v6 =	vld [tilespmem:s21+$0xFFFFFFE0];
	[tilespmem:s22+$0x2850 ss:$0x81] =	vst.msk $0xffff, v3  }
0x5e: {  	s26 =	sshra.s32 s24, $0x2;
	s24 =	smov.u32 s25;
	v7 =	vld [tilespmem:s21+$0xFFFFFFF0];
	[tilespmem:s22+$0x3060 ss:$0x81] =	vst.msk $0xffff, v2  }
.Ltmp3:
0x5f: {  	v4 =	vld [tilespmem:s21+$0x0];
	[tilespmem:s22+$0x0 ss:$0x81] =	vst.msk $0xffff, v1;
	s22 =	sadd.s32 s26, s23;
	(pc) =	sbr.rel @p1 .LBB1_3-.Ltmp3, $4  }
0x60: {  	v3 =	vld [tilespmem:s21+$0x10];
	[tilespmem:s22+$0x3870 ss:$0x81] =	vst.msk $0xffff, v0  }
0x61: {  	[tilespmem:s22+$0x810 ss:$0x81] =	vst.msk $0xffff, v5;
	v2 =	vld [tilespmem:s21+$0x20]  }
0x62: {  	v1 =	vld [tilespmem:s21+$0xFFFFFFC0];
	[tilespmem:s22+$0x1020 ss:$0x81] =	vst.msk $0xffff, v6;
	s21 =	sadd.s32 $0x80, s21  }
0x63: {  	s25 =	sadd.s32 $0x4, s25;
	v0 =	vld [tilespmem:s21+$0x30];
	[tilespmem:s22+$0x1830 ss:$0x81] =	vst.msk $0xffff, v7  }
.Ltmp4:
0x64: {  	_ = 	snop;
	(pc) =	sbr.rel .LBB1_4-.Ltmp4, $1  }
0x65: {  	_ =	sdelay $0x3  }
.LBB1_6:
0x66: {  	_ =	sfence.sel $0x180000  }
0x67: {  	s2 =	simm.s32 $0x1;
	[bflag:$0x0] =	sbarrier.arrive $0xFFFF  }
0x68: {  	s31 =	simm.s32 $0x2;
	[sflag:s2] =	ssyncpa.u1 $0x1  }
0x69: {  	[sflag:s31] =	ssyncpa.u1 $0x1  }
0x6a: {  	p0 =	sne.s32 s0, $0x0;
	_ =	strace $0x9000004A  }
0x6b: {  	s0 =	sadd.s32 @!p0 $0x100000, s1;
	[bflag:$0x2] =	sbarrier.arrive $0xFFFF  }
0x6c: {  	[sflag:s0] =	ssyncadd.tile.s32 @!p0 $0x1;
	_ =	shalt  }
.Lfunc_end1:
_tile_overlayer_lowered:
.L_overlay_start_2:
0x6d: {  	(tag) =	ssettag $0x2  }
0x6e: {  	s0 =	rddreg [dreg:$0x0];
	s2 =	stileid.u32  }
0x6f: {  	s1 =	rddreg [dreg:$0x1];
	p0 =	sne.s32 s2, $0x0  }
0x70: {  	s3 =	rddreg [dreg:$0x2];
	[bflag:$0x3] =	sbarrier.arrive $0xFFFF;
	s2 =	simm.s32 @!p0 $0x1C01  }
0x71: {  	[timem:s3], [sflag:s2] =	dma.local @!p0 [hbm:s0], s1  }
0x72: {  	s0 =	simm.s32 @!p0 $0x1  }
0x73: {  	_ =	swait.ge @!p0 [sflag:s0], s1  }
0x74: {  	s1 =	ssub.s32 @!p0 $0x0, s1;
	[sflag:s0] =	ssyncset.done @!p0 $0x0  }
0x75: {  	[sflag:s0] =	ssyncadd.s32 @!p0 s1  }
0x76: {  	[bflag:$0x3] =	sbarrier.arrive $0xFFFF  }
0x77: {  	_ =	shalt  }

</sc_bundles>
